<compile_context>
chip_gen: v7x
topology: tpu7x:2x2x1
jax: 0.10.2.dev20260603
libtpu: 0.0.44.dev20260713+nightly
codegen_flags: <defaults>
</compile_context>

<pallas_src>
import functools

import jax
import jax.numpy as jnp
from jax import lax
from jax.experimental import pallas as pl
from jax.experimental.pallas import tpu as pltpu
from jax.experimental.pallas import tpu_sc as plsc

_E = 16
_K = 2
_BLK = 1024

_NC = 2
_NS = 16
_NW = _NC * _NS


def _mm_block(x_ref, wt_ref, b_ref, o_ref):
    o_ref[...] = jnp.dot(x_ref[...], wt_ref[...],
                         preferred_element_type=jnp.float32) + b_ref[...]


def _tc_logits(x, wt, b2, T, H):
    return pl.pallas_call(
        _mm_block,
        grid=(T // _BLK,),
        in_specs=[
            pl.BlockSpec((_BLK, H), lambda i: (i, 0)),
            pl.BlockSpec((H, _E), lambda i: (0, 0)),
            pl.BlockSpec((1, _E), lambda i: (0, 0)),
        ],
        out_specs=pl.BlockSpec((_BLK, _E), lambda i: (i, 0)),
        out_shape=jax.ShapeDtypeStruct((T, _E), jnp.float32),
    )(x, wt, b2)


def _route_body(T, logits_hbm, probs_hbm, idx_hbm, map_hbm,
                ltile, pv, iv, mv):
    tpw = T // _NW
    wid = lax.axis_index("s") * _NC + lax.axis_index("c")
    base = wid * tpw
    pltpu.sync_copy(logits_hbm.at[pl.ds(base, tpw), :], ltile)
    iota = lax.iota(jnp.int32, 16)

    def _group(g, carry):
        pvec = jnp.zeros((16,), jnp.float32)
        ivec = jnp.zeros((16,), jnp.int32)
        for j in range(8):
            t = g * 8 + j
            v = ltile[t, :]
            m1 = jnp.max(v)
            i1 = plsc.all_reduce_ffs(v == m1)
            v2 = jnp.where(iota == i1, -3.0e38, v)
            m2 = jnp.max(v2)
            i2 = plsc.all_reduce_ffs(v2 == m2)
            s1 = 1.0 / (1.0 + jnp.exp(jnp.broadcast_to(-m1, (16,))))
            s2 = 1.0 / (1.0 + jnp.exp(jnp.broadcast_to(-m2, (16,))))
            ssum = s1 + s2
            w1 = s1 / ssum
            w2 = s2 / ssum
            mv[t, :] = jnp.where(iota == i1, w1,
                                 jnp.where(iota == i2, w2, 0.0))
            pvec = jnp.where(iota == 2 * j, w1,
                             jnp.where(iota == 2 * j + 1, w2, pvec))
            ivec = jnp.where(iota == 2 * j, i1,
                             jnp.where(iota == 2 * j + 1, i2, ivec))
        pv[pl.ds(g * 16, 16)] = pvec
        iv[pl.ds(g * 16, 16)] = ivec
        return carry

    lax.fori_loop(0, tpw // 8, _group, 0)
    pltpu.sync_copy(pv, probs_hbm.at[pl.ds(base * _K, tpw * _K)])
    pltpu.sync_copy(iv, idx_hbm.at[pl.ds(base * _K, tpw * _K)])
    pltpu.sync_copy(mv, map_hbm.at[pl.ds(base, tpw), :])


def _sc_route(logits_flat, T):
    tpw = T // _NW
    mesh = plsc.VectorSubcoreMesh(
        core_axis_name="c", subcore_axis_name="s",
        num_cores=_NC, num_subcores=_NS)
    k = pl.kernel(
        functools.partial(_route_body, T),
        mesh=mesh,
        out_type=[
            jax.ShapeDtypeStruct((T * _K,), jnp.float32),
            jax.ShapeDtypeStruct((T * _K,), jnp.int32),
            jax.ShapeDtypeStruct((T, _E), jnp.float32),
        ],
        scratch_types=[
            pltpu.VMEM((tpw, _E), jnp.float32),
            pltpu.VMEM((tpw * _K,), jnp.float32),
            pltpu.VMEM((tpw * _K,), jnp.int32),
            pltpu.VMEM((tpw, _E), jnp.float32),
        ],
        compiler_params=pltpu.CompilerParams(needs_layout_passes=False),
    )
    return k(logits_flat)


def kernel(hidden_states, W, b):
    B, S, H = hidden_states.shape
    T = B * S
    x = hidden_states.reshape(T, H)
    wt = W.T
    b2 = b.reshape(1, _E)
    logits = _tc_logits(x, wt, b2, T, H)
    probs_f, idx_f, rmap = _sc_route(logits, T)
    return (probs_f.reshape(B, S, _K), idx_f.reshape(B, S, _K),
            rmap.reshape(B, S, _E))

# --- scband reference (transcript-rebuilt; emitter-appended) ---
"""Pipeline reference for scband-custom-mo-erouter-18803366822022 (READ-ONLY COPY).

The authoritative reference and input builder live on the scoring server;
editing this copy changes nothing except your own understanding.
"""

import jax, jax.numpy as jnp
import numpy as np

NUM_EXPERTS = 16
TOP_K = 2

def setup_inputs(seed: int = 0) -> dict:
    key = jax.random.key(seed)
    k1, k2, k3 = jax.random.split(key, 3)
    hidden_states = jax.random.normal(k1, (2, 4096, 2048), dtype=jnp.float32)
    # torch.nn.Linear(hidden_size, num_experts, bias=True): weight [E, H], bias [E]
    W = jax.random.normal(k2, (NUM_EXPERTS, 2048), dtype=jnp.float32) * 0.02
    b = jax.random.normal(k3, (NUM_EXPERTS,), dtype=jnp.float32) * 0.02
    return {"hidden_states": hidden_states, "W": W, "b": b}

def reference(hidden_states, W, b):
    # router_logits = Linear(hidden_states)
    router_logits = jnp.einsum('bsh,eh->bse', hidden_states, W) + b
    # sigmoid score function
    router_probs = jax.nn.sigmoid(router_logits)
    # top-k over experts
    router_probs_topk, router_indices_topk = jax.lax.top_k(router_probs, TOP_K)
    # normalize top-k weights
    router_probs_topk = router_probs_topk / jnp.sum(router_probs_topk, axis=-1, keepdims=True)
    # dense routing map: zeros scattered with normalized weights at top-k expert slots.
    # top_k indices are distinct per token, so a sum of weighted one-hots is exactly
    # equivalent to the per-element overwrite in the torch loop.
    one_hot = jax.nn.one_hot(router_indices_topk, NUM_EXPERTS, dtype=router_probs.dtype)
    routing_map = jnp.sum(one_hot * router_probs_topk[..., None], axis=-2)
    return (router_probs_topk, router_indices_topk, routing_map)

if __name__ == "__main__":
    import jax
    _d = setup_inputs()
    print(jax.jit(kernel)(*tuple(_d.values())))

</pallas_src>

<mosaic_0001>
#map = affine_map<(d0, d1) -> (0, 0)>
#map1 = affine_map<(d0, d1) -> (0)>
module attributes {stable_mosaic.version = 14 : i64} {
  func.func @_route_body(%arg0: i32, %arg1: i32, %arg2: memref<8192x16xf32, #tpu.memory_space<hbm>>, %arg3: memref<16384xf32, #tpu.memory_space<hbm>>, %arg4: memref<16384xi32, #tpu.memory_space<hbm>>, %arg5: memref<8192x16xf32, #tpu.memory_space<hbm>>, %arg6: memref<256x16xf32, #tpu.memory_space<vmem>>, %arg7: memref<512xf32, #tpu.memory_space<vmem>>, %arg8: memref<512xi32, #tpu.memory_space<vmem>>, %arg9: memref<256x16xf32, #tpu.memory_space<vmem>>) attributes {dimension_semantics = [#tpu.dimension_semantics<core_parallel>, #tpu.dimension_semantics<subcore_parallel>], iteration_bounds = array<i64: 2, 16>, scalar_prefetch = 0 : i64, scratch_operands = 4 : i64, tpu.core_type = #tpu.core_type<sc_vector_subcore>, window_params = [{transform_indices = #map}, {transform_indices = #map1}, {transform_indices = #map1}, {transform_indices = #map}]} {
    %mul3A = arith.constant 2 : i32
    %mul3A_0 = arith.muli %arg1, %mul3A : i32
    %add3A = arith.addi %mul3A_0, %arg0 : i32
    %mul3A_1 = arith.constant 256 : i32
    %mul3A_2 = arith.muli %add3A, %mul3A_1 : i32
    "tpu.region"() ({
      %run_scoped3A = tpu.sem_alloc : memref<!tpu.dma_semaphore, #tpu.memory_space<semaphore_mem>>
      %dma_start3A = arith.constant 0 : i32
      %dma_start3A_12 = tpu.memref_slice %arg2[%mul3A_2, %dma_start3A] : memref<8192x16xf32, #tpu.memory_space<hbm>> -> memref<256x16xf32, #tpu.memory_space<hbm>>
      %dma_start3A_13 = arith.constant 0 : i32
      %dma_start3A_14 = tpu.memref_slice %arg2[%mul3A_2, %dma_start3A_13] : memref<8192x16xf32, #tpu.memory_space<hbm>> -> memref<256x16xf32, #tpu.memory_space<hbm>>
      tpu.enqueue_dma source(%dma_start3A_14 : memref<256x16xf32, #tpu.memory_space<hbm>>) target(%arg6 : memref<256x16xf32, #tpu.memory_space<vmem>>) target_semaphore(%run_scoped3A : memref<!tpu.dma_semaphore, #tpu.memory_space<semaphore_mem>>)
      %dma_wait3A = arith.constant 0 : i32
      %dma_wait3A_15 = tpu.memref_slice %arg2[%mul3A_2, %dma_wait3A] : memref<8192x16xf32, #tpu.memory_space<hbm>> -> memref<256x16xf32, #tpu.memory_space<hbm>>
      %dma_wait3A_16 = arith.constant 0 : i32
      %dma_wait3A_17 = tpu.memref_slice %arg2[%mul3A_2, %dma_wait3A_16] : memref<8192x16xf32, #tpu.memory_space<hbm>> -> memref<256x16xf32, #tpu.memory_space<hbm>>
      tpu.wait_dma2 semaphore(%run_scoped3A : memref<!tpu.dma_semaphore, #tpu.memory_space<semaphore_mem>>) src(%dma_wait3A_17 : memref<256x16xf32, #tpu.memory_space<hbm>>) dst(%arg6 : memref<256x16xf32, #tpu.memory_space<vmem>>)
      tpu.yield
    }) : () -> ()
    %iota3A = tpu.iota {dimensions = array<i32: 0>} : vector<16xi32>
    %scan3A = arith.constant 0 : i32
    %scan3A_3 = arith.constant 0 : i32
    %scan3A_4 = arith.constant 32 : i32
    %scan3A_5 = arith.addi %scan3A_3, %scan3A_4 : i32
    %scan3A_6 = arith.constant 1 : i32
    scf.for %scan3A_12 = %scan3A_3 to %scan3A_5 step %scan3A_6  : i32 {
      %broadcast_in_dim3A = arith.constant 0.000000e+00 : f32
      %broadcast_in_dim3A_13 = vector.broadcast %broadcast_in_dim3A : f32 to vector<16xf32>
      %broadcast_in_dim3A_14 = arith.constant 0 : i32
      %broadcast_in_dim3A_15 = vector.broadcast %broadcast_in_dim3A_14 : i32 to vector<16xi32>
      %mul3A_16 = arith.constant 8 : i32
      %mul3A_17 = arith.muli %scan3A_12, %mul3A_16 : i32
      %add3A_18 = arith.constant 0 : i32
      %add3A_19 = arith.addi %mul3A_17, %add3A_18 : i32
      %get3A = arith.index_cast %add3A_19 : i32 to index
      %get3A_20 = arith.constant 0 : index
      %get3A_21 = tpu.vector_load %arg6[%get3A, %get3A_20] {strides = array<i32>} : memref<256x16xf32, #tpu.memory_space<vmem>>, vector<16xf32>,
      %reduce_max3A = arith.constant true
      %reduce_max3A_22 = vector.broadcast %reduce_max3A : i1 to vector<16xi1>
      %reduce_max3A_23 = tpu.scan <max>, %get3A_21 masked %reduce_max3A_22 : vector<16xf32>, vector<16xi1> -> vector<16xf32>
      %reduce_max3A_24 = vector.extract %reduce_max3A_23[15] : f32 from vector<16xf32>
      %eq3A = vector.broadcast %reduce_max3A_24 : f32 to vector<16xf32>
      %eq3A_25 = arith.cmpf oeq, %get3A_21, %eq3A : vector<16xf32>
      %all_reduce_ffs3A = tpu.all_reduce %eq3A_25 {dim = 0 : i64, kind = #tpu.reduction_kind<find_first_set>} : vector<16xi1> -> vector<16xi32>
      %eq3A_26 = arith.cmpi eq, %iota3A, %all_reduce_ffs3A : vector<16xi32>
      %jit3A = arith.constant -3.000000e+38 : f32
      %broadcast_in_dim3A_27 = vector.broadcast %jit3A : f32 to vector<16xf32>
      %select_n3A = arith.select %eq3A_26, %broadcast_in_dim3A_27, %get3A_21 : vector<16xi1>, vector<16xf32>
      %reduce_max3A_28 = arith.constant true
      %reduce_max3A_29 = vector.broadcast %reduce_max3A_28 : i1 to vector<16xi1>
      %reduce_max3A_30 = tpu.scan <max>, %select_n3A masked %reduce_max3A_29 : vector<16xf32>, vector<16xi1> -> vector<16xf32>
      %reduce_max3A_31 = vector.extract %reduce_max3A_30[15] : f32 from vector<16xf32>
      %eq3A_32 = vector.broadcast %reduce_max3A_31 : f32 to vector<16xf32>
      %eq3A_33 = arith.cmpf oeq, %select_n3A, %eq3A_32 : vector<16xf32>
      %all_reduce_ffs3A_34 = tpu.all_reduce %eq3A_33 {dim = 0 : i64, kind = #tpu.reduction_kind<find_first_set>} : vector<16xi1> -> vector<16xi32>
      %neg3A = arith.constant 0.000000e+00 : f32
      %neg3A_35 = arith.subf %neg3A, %reduce_max3A_24 : f32
      %broadcast_in_dim3A_36 = vector.broadcast %neg3A_35 : f32 to vector<16xf32>
      %exp3A = math.exp %broadcast_in_dim3A_36 : vector<16xf32>
      %add3A_37 = arith.constant 1.000000e+00 : f32
      %add3A_38 = vector.broadcast %add3A_37 : f32 to vector<16xf32>
      %add3A_39 = arith.addf %add3A_38, %exp3A : vector<16xf32>
      %div3A = arith.constant 1.000000e+00 : f32
      %div3A_40 = vector.broadcast %div3A : f32 to vector<16xf32>
      %div3A_41 = arith.divf %div3A_40, %add3A_39 : vector<16xf32>
      %neg3A_42 = arith.constant 0.000000e+00 : f32
      %neg3A_43 = arith.subf %neg3A_42, %reduce_max3A_31 : f32
      %broadcast_in_dim3A_44 = vector.broadcast %neg3A_43 : f32 to vector<16xf32>
      %exp3A_45 = math.exp %broadcast_in_dim3A_44 : vector<16xf32>
      %add3A_46 = arith.constant 1.000000e+00 : f32
      %add3A_47 = vector.broadcast %add3A_46 : f32 to vector<16xf32>
      %add3A_48 = arith.addf %add3A_47, %exp3A_45 : vector<16xf32>
      %div3A_49 = arith.constant 1.000000e+00 : f32
      %div3A_50 = vector.broadcast %div3A_49 : f32 to vector<16xf32>
      %div3A_51 = arith.divf %div3A_50, %add3A_48 : vector<16xf32>
      %add3A_52 = arith.addf %div3A_41, %div3A_51 : vector<16xf32>
      %div3A_53 = arith.divf %div3A_41, %add3A_52 : vector<16xf32>
      %div3A_54 = arith.divf %div3A_51, %add3A_52 : vector<16xf32>
      %eq3A_55 = arith.cmpi eq, %iota3A, %all_reduce_ffs3A : vector<16xi32>
      %eq3A_56 = arith.cmpi eq, %iota3A, %all_reduce_ffs3A_34 : vector<16xi32>
      %jit3A_57 = arith.constant 0.000000e+00 : f32
      %broadcast_in_dim3A_58 = vector.broadcast %jit3A_57 : f32 to vector<16xf32>
      %select_n3A_59 = arith.select %eq3A_56, %div3A_54, %broadcast_in_dim3A_58 : vector<16xi1>, vector<16xf32>
      %select_n3A_60 = arith.select %eq3A_55, %div3A_53, %select_n3A_59 : vector<16xi1>, vector<16xf32>
      %swap3A = arith.index_cast %add3A_19 : i32 to index
      %swap3A_61 = arith.constant 0 : index
      %swap3A_62 = tpu.vector_load %arg9[%swap3A, %swap3A_61] {strides = array<i32>} : memref<256x16xf32, #tpu.memory_space<vmem>>, vector<16xf32>,
      tpu.vector_store %arg9[%swap3A, %swap3A_61], %select_n3A_60 {strides = array<i32>} : memref<256x16xf32, #tpu.memory_space<vmem>>, vector<16xf32>,
      %eq3A_63 = arith.constant 0 : i32
      %eq3A_64 = vector.broadcast %eq3A_63 : i32 to vector<16xi32>
      %eq3A_65 = arith.cmpi eq, %iota3A, %eq3A_64 : vector<16xi32>
      %eq3A_66 = arith.constant 1 : i32
      %eq3A_67 = vector.broadcast %eq3A_66 : i32 to vector<16xi32>
      %eq3A_68 = arith.cmpi eq, %iota3A, %eq3A_67 : vector<16xi32>
      %select_n3A_69 = arith.select %eq3A_68, %div3A_54, %broadcast_in_dim3A_13 : vector<16xi1>, vector<16xf32>
      %select_n3A_70 = arith.select %eq3A_65, %div3A_53, %select_n3A_69 : vector<16xi1>, vector<16xf32>
      %eq3A_71 = arith.constant 0 : i32
      %eq3A_72 = vector.broadcast %eq3A_71 : i32 to vector<16xi32>
      %eq3A_73 = arith.cmpi eq, %iota3A, %eq3A_72 : vector<16xi32>
      %eq3A_74 = arith.constant 1 : i32
      %eq3A_75 = vector.broadcast %eq3A_74 : i32 to vector<16xi32>
      %eq3A_76 = arith.cmpi eq, %iota3A, %eq3A_75 : vector<16xi32>
      %select_n3A_77 = arith.select %eq3A_76, %all_reduce_ffs3A_34, %broadcast_in_dim3A_15 : vector<16xi1>, vector<16xi32>
      %select_n3A_78 = arith.select %eq3A_73, %all_reduce_ffs3A, %select_n3A_77 : vector<16xi1>, vector<16xi32>
      %mul3A_79 = arith.constant 8 : i32
      %mul3A_80 = arith.muli %scan3A_12, %mul3A_79 : i32
      %add3A_81 = arith.constant 1 : i32
      %add3A_82 = arith.addi %mul3A_80, %add3A_81 : i32
      %get3A_83 = arith.index_cast %add3A_82 : i32 to index
      %get3A_84 = arith.constant 0 : index
      %get3A_85 = tpu.vector_load %arg6[%get3A_83, %get3A_84] {strides = array<i32>} : memref<256x16xf32, #tpu.memory_space<vmem>>, vector<16xf32>,
      %reduce_max3A_86 = arith.constant true
      %reduce_max3A_87 = vector.broadcast %reduce_max3A_86 : i1 to vector<16xi1>
      %reduce_max3A_88 = tpu.scan <max>, %get3A_85 masked %reduce_max3A_87 : vector<16xf32>, vector<16xi1> -> vector<16xf32>
      %reduce_max3A_89 = vector.extract %reduce_max3A_88[15] : f32 from vector<16xf32>
      %eq3A_90 = vector.broadcast %reduce_max3A_89 : f32 to vector<16xf32>
      %eq3A_91 = arith.cmpf oeq, %get3A_85, %eq3A_90 : vector<16xf32>
      %all_reduce_ffs3A_92 = tpu.all_reduce %eq3A_91 {dim = 0 : i64, kind = #tpu.reduction_kind<find_first_set>} : vector<16xi1> -> vector<16xi32>
      %eq3A_93 = arith.cmpi eq, %iota3A, %all_reduce_ffs3A_92 : vector<16xi32>
      %jit3A_94 = arith.constant -3.000000e+38 : f32
      %broadcast_in_dim3A_95 = vector.broadcast %jit3A_94 : f32 to vector<16xf32>
      %select_n3A_96 = arith.select %eq3A_93, %broadcast_in_dim3A_95, %get3A_85 : vector<16xi1>, vector<16xf32>
      %reduce_max3A_97 = arith.constant true
      %reduce_max3A_98 = vector.broadcast %reduce_max3A_97 : i1 to vector<16xi1>
      %reduce_max3A_99 = tpu.scan <max>, %select_n3A_96 masked %reduce_max3A_98 : vector<16xf32>, vector<16xi1> -> vector<16xf32>
      %reduce_max3A_100 = vector.extract %reduce_max3A_99[15] : f32 from vector<16xf32>
      %eq3A_101 = vector.broadcast %reduce_max3A_100 : f32 to vector<16xf32>
      %eq3A_102 = arith.cmpf oeq, %select_n3A_96, %eq3A_101 : vector<16xf32>
      %all_reduce_ffs3A_103 = tpu.all_reduce %eq3A_102 {dim = 0 : i64, kind = #tpu.reduction_kind<find_first_set>} : vector<16xi1> -> vector<16xi32>
      %neg3A_104 = arith.constant 0.000000e+00 : f32
      %neg3A_105 = arith.subf %neg3A_104, %reduce_max3A_89 : f32
      %broadcast_in_dim3A_106 = vector.broadcast %neg3A_105 : f32 to vector<16xf32>
      %exp3A_107 = math.exp %broadcast_in_dim3A_106 : vector<16xf32>
      %add3A_108 = arith.constant 1.000000e+00 : f32
      %add3A_109 = vector.broadcast %add3A_108 : f32 to vector<16xf32>
      %add3A_110 = arith.addf %add3A_109, %exp3A_107 : vector<16xf32>
      %div3A_111 = arith.constant 1.000000e+00 : f32
      %div3A_112 = vector.broadcast %div3A_111 : f32 to vector<16xf32>
      %div3A_113 = arith.divf %div3A_112, %add3A_110 : vector<16xf32>
      %neg3A_114 = arith.constant 0.000000e+00 : f32
      %neg3A_115 = arith.subf %neg3A_114, %reduce_max3A_100 : f32
      %broadcast_in_dim3A_116 = vector.broadcast %neg3A_115 : f32 to vector<16xf32>
      %exp3A_117 = math.exp %broadcast_in_dim3A_116 : vector<16xf32>
      %add3A_118 = arith.constant 1.000000e+00 : f32
      %add3A_119 = vector.broadcast %add3A_118 : f32 to vector<16xf32>
      %add3A_120 = arith.addf %add3A_119, %exp3A_117 : vector<16xf32>
      %div3A_121 = arith.constant 1.000000e+00 : f32
      %div3A_122 = vector.broadcast %div3A_121 : f32 to vector<16xf32>
      %div3A_123 = arith.divf %div3A_122, %add3A_120 : vector<16xf32>
      %add3A_124 = arith.addf %div3A_113, %div3A_123 : vector<16xf32>
      %div3A_125 = arith.divf %div3A_113, %add3A_124 : vector<16xf32>
      %div3A_126 = arith.divf %div3A_123, %add3A_124 : vector<16xf32>
      %eq3A_127 = arith.cmpi eq, %iota3A, %all_reduce_ffs3A_92 : vector<16xi32>
      %eq3A_128 = arith.cmpi eq, %iota3A, %all_reduce_ffs3A_103 : vector<16xi32>
      %jit3A_129 = arith.constant 0.000000e+00 : f32
      %broadcast_in_dim3A_130 = vector.broadcast %jit3A_129 : f32 to vector<16xf32>
      %select_n3A_131 = arith.select %eq3A_128, %div3A_126, %broadcast_in_dim3A_130 : vector<16xi1>, vector<16xf32>
      %select_n3A_132 = arith.select %eq3A_127, %div3A_125, %select_n3A_131 : vector<16xi1>, vector<16xf32>
      %swap3A_133 = arith.index_cast %add3A_82 : i32 to index
      %swap3A_134 = arith.constant 0 : index
      %swap3A_135 = tpu.vector_load %arg9[%swap3A_133, %swap3A_134] {strides = array<i32>} : memref<256x16xf32, #tpu.memory_space<vmem>>, vector<16xf32>,
      tpu.vector_store %arg9[%swap3A_133, %swap3A_134], %select_n3A_132 {strides = array<i32>} : memref<256x16xf32, #tpu.memory_space<vmem>>, vector<16xf32>,
      %eq3A_136 = arith.constant 2 : i32
      %eq3A_137 = vector.broadcast %eq3A_136 : i32 to vector<16xi32>
      %eq3A_138 = arith.cmpi eq, %iota3A, %eq3A_137 : vector<16xi32>
      %eq3A_139 = arith.constant 3 : i32
      %eq3A_140 = vector.broadcast %eq3A_139 : i32 to vector<16xi32>
      %eq3A_141 = arith.cmpi eq, %iota3A, %eq3A_140 : vector<16xi32>
      %select_n3A_142 = arith.select %eq3A_141, %div3A_126, %select_n3A_70 : vector<16xi1>, vector<16xf32>
      %select_n3A_143 = arith.select %eq3A_138, %div3A_125, %select_n3A_142 : vector<16xi1>, vector<16xf32>
      %eq3A_144 = arith.constant 2 : i32
      %eq3A_145 = vector.broadcast %eq3A_144 : i32 to vector<16xi32>
      %eq3A_146 = arith.cmpi eq, %iota3A, %eq3A_145 : vector<16xi32>
      %eq3A_147 = arith.constant 3 : i32
      %eq3A_148 = vector.broadcast %eq3A_147 : i32 to vector<16xi32>
      %eq3A_149 = arith.cmpi eq, %iota3A, %eq3A_148 : vector<16xi32>
      %select_n3A_150 = arith.select %eq3A_149, %all_reduce_ffs3A_103, %select_n3A_78 : vector<16xi1>, vector<16xi32>
      %select_n3A_151 = arith.select %eq3A_146, %all_reduce_ffs3A_92, %select_n3A_150 : vector<16xi1>, vector<16xi32>
      %mul3A_152 = arith.constant 8 : i32
      %mul3A_153 = arith.muli %scan3A_12, %mul3A_152 : i32
      %add3A_154 = arith.constant 2 : i32
      %add3A_155 = arith.addi %mul3A_153, %add3A_154 : i32
      %get3A_156 = arith.index_cast %add3A_155 : i32 to index
      %get3A_157 = arith.constant 0 : index
      %get3A_158 = tpu.vector_load %arg6[%get3A_156, %get3A_157] {strides = array<i32>} : memref<256x16xf32, #tpu.memory_space<vmem>>, vector<16xf32>,
      %reduce_max3A_159 = arith.constant true
      %reduce_max3A_160 = vector.broadcast %reduce_max3A_159 : i1 to vector<16xi1>
      %reduce_max3A_161 = tpu.scan <max>, %get3A_158 masked %reduce_max3A_160 : vector<16xf32>, vector<16xi1> -> vector<16xf32>
      %reduce_max3A_162 = vector.extract %reduce_max3A_161[15] : f32 from vector<16xf32>
      %eq3A_163 = vector.broadcast %reduce_max3A_162 : f32 to vector<16xf32>
      %eq3A_164 = arith.cmpf oeq, %get3A_158, %eq3A_163 : vector<16xf32>
      %all_reduce_ffs3A_165 = tpu.all_reduce %eq3A_164 {dim = 0 : i64, kind = #tpu.reduction_kind<find_first_set>} : vector<16xi1> -> vector<16xi32>
      %eq3A_166 = arith.cmpi eq, %iota3A, %all_reduce_ffs3A_165 : vector<16xi32>
      %jit3A_167 = arith.constant -3.000000e+38 : f32
      %broadcast_in_dim3A_168 = vector.broadcast %jit3A_167 : f32 to vector<16xf32>
      %select_n3A_169 = arith.select %eq3A_166, %broadcast_in_dim3A_168, %get3A_158 : vector<16xi1>, vector<16xf32>
      %reduce_max3A_170 = arith.constant true
      %reduce_max3A_171 = vector.broadcast %reduce_max3A_170 : i1 to vector<16xi1>
      %reduce_max3A_172 = tpu.scan <max>, %select_n3A_169 masked %reduce_max3A_171 : vector<16xf32>, vector<16xi1> -> vector<16xf32>
      %reduce_max3A_173 = vector.extract %reduce_max3A_172[15] : f32 from vector<16xf32>
      %eq3A_174 = vector.broadcast %reduce_max3A_173 : f32 to vector<16xf32>
      %eq3A_175 = arith.cmpf oeq, %select_n3A_169, %eq3A_174 : vector<16xf32>
      %all_reduce_ffs3A_176 = tpu.all_reduce %eq3A_175 {dim = 0 : i64, kind = #tpu.reduction_kind<find_first_set>} : vector<16xi1> -> vector<16xi32>
      %neg3A_177 = arith.constant 0.000000e+00 : f32
      %neg3A_178 = arith.subf %neg3A_177, %reduce_max3A_162 : f32
      %broadcast_in_dim3A_179 = vector.broadcast %neg3A_178 : f32 to vector<16xf32>
      %exp3A_180 = math.exp %broadcast_in_dim3A_179 : vector<16xf32>
      %add3A_181 = arith.constant 1.000000e+00 : f32
      %add3A_182 = vector.broadcast %add3A_181 : f32 to vector<16xf32>
      %add3A_183 = arith.addf %add3A_182, %exp3A_180 : vector<16xf32>
      %div3A_184 = arith.constant 1.000000e+00 : f32
      %div3A_185 = vector.broadcast %div3A_184 : f32 to vector<16xf32>
      %div3A_186 = arith.divf %div3A_185, %add3A_183 : vector<16xf32>
      %neg3A_187 = arith.constant 0.000000e+00 : f32
      %neg3A_188 = arith.subf %neg3A_187, %reduce_max3A_173 : f32
      %broadcast_in_dim3A_189 = vector.broadcast %neg3A_188 : f32 to vector<16xf32>
      %exp3A_190 = math.exp %broadcast_in_dim3A_189 : vector<16xf32>
      %add3A_191 = arith.constant 1.000000e+00 : f32
      %add3A_192 = vector.broadcast %add3A_191 : f32 to vector<16xf32>
      %add3A_193 = arith.addf %add3A_192, %exp3A_190 : vector<16xf32>
      %div3A_194 = arith.constant 1.000000e+00 : f32
      %div3A_195 = vector.broadcast %div3A_194 : f32 to vector<16xf32>
      %div3A_196 = arith.divf %div3A_195, %add3A_193 : vector<16xf32>
      %add3A_197 = arith.addf %div3A_186, %div3A_196 : vector<16xf32>
      %div3A_198 = arith.divf %div3A_186, %add3A_197 : vector<16xf32>
      %div3A_199 = arith.divf %div3A_196, %add3A_197 : vector<16xf32>
      %eq3A_200 = arith.cmpi eq, %iota3A, %all_reduce_ffs3A_165 : vector<16xi32>
      %eq3A_201 = arith.cmpi eq, %iota3A, %all_reduce_ffs3A_176 : vector<16xi32>
      %jit3A_202 = arith.constant 0.000000e+00 : f32
      %broadcast_in_dim3A_203 = vector.broadcast %jit3A_202 : f32 to vector<16xf32>
      %select_n3A_204 = arith.select %eq3A_201, %div3A_199, %broadcast_in_dim3A_203 : vector<16xi1>, vector<16xf32>
      %select_n3A_205 = arith.select %eq3A_200, %div3A_198, %select_n3A_204 : vector<16xi1>, vector<16xf32>
      %swap3A_206 = arith.index_cast %add3A_155 : i32 to index
      %swap3A_207 = arith.constant 0 : index
      %swap3A_208 = tpu.vector_load %arg9[%swap3A_206, %swap3A_207] {strides = array<i32>} : memref<256x16xf32, #tpu.memory_space<vmem>>, vector<16xf32>,
      tpu.vector_store %arg9[%swap3A_206, %swap3A_207], %select_n3A_205 {strides = array<i32>} : memref<256x16xf32, #tpu.memory_space<vmem>>, vector<16xf32>,
      %eq3A_209 = arith.constant 4 : i32
      %eq3A_210 = vector.broadcast %eq3A_209 : i32 to vector<16xi32>
      %eq3A_211 = arith.cmpi eq, %iota3A, %eq3A_210 : vector<16xi32>
      %eq3A_212 = arith.constant 5 : i32
      %eq3A_213 = vector.broadcast %eq3A_212 : i32 to vector<16xi32>
      %eq3A_214 = arith.cmpi eq, %iota3A, %eq3A_213 : vector<16xi32>
      %select_n3A_215 = arith.select %eq3A_214, %div3A_199, %select_n3A_143 : vector<16xi1>, vector<16xf32>
      %select_n3A_216 = arith.select %eq3A_211, %div3A_198, %select_n3A_215 : vector<16xi1>, vector<16xf32>
      %eq3A_217 = arith.constant 4 : i32
      %eq3A_218 = vector.broadcast %eq3A_217 : i32 to vector<16xi32>
      %eq3A_219 = arith.cmpi eq, %iota3A, %eq3A_218 : vector<16xi32>
      %eq3A_220 = arith.constant 5 : i32
      %eq3A_221 = vector.broadcast %eq3A_220 : i32 to vector<16xi32>
      %eq3A_222 = arith.cmpi eq, %iota3A, %eq3A_221 : vector<16xi32>
      %select_n3A_223 = arith.select %eq3A_222, %all_reduce_ffs3A_176, %select_n3A_151 : vector<16xi1>, vector<16xi32>
      %select_n3A_224 = arith.select %eq3A_219, %all_reduce_ffs3A_165, %select_n3A_223 : vector<16xi1>, vector<16xi32>
      %mul3A_225 = arith.constant 8 : i32
      %mul3A_226 = arith.muli %scan3A_12, %mul3A_225 : i32
      %add3A_227 = arith.constant 3 : i32
      %add3A_228 = arith.addi %mul3A_226, %add3A_227 : i32
      %get3A_229 = arith.index_cast %add3A_228 : i32 to index
      %get3A_230 = arith.constant 0 : index
      %get3A_231 = tpu.vector_load %arg6[%get3A_229, %get3A_230] {strides = array<i32>} : memref<256x16xf32, #tpu.memory_space<vmem>>, vector<16xf32>,
      %reduce_max3A_232 = arith.constant true
      %reduce_max3A_233 = vector.broadcast %reduce_max3A_232 : i1 to vector<16xi1>
      %reduce_max3A_234 = tpu.scan <max>, %get3A_231 masked %reduce_max3A_233 : vector<16xf32>, vector<16xi1> -> vector<16xf32>
      %reduce_max3A_235 = vector.extract %reduce_max3A_234[15] : f32 from vector<16xf32>
      %eq3A_236 = vector.broadcast %reduce_max3A_235 : f32 to vector<16xf32>
      %eq3A_237 = arith.cmpf oeq, %get3A_231, %eq3A_236 : vector<16xf32>
      %all_reduce_ffs3A_238 = tpu.all_reduce %eq3A_237 {dim = 0 : i64, kind = #tpu.reduction_kind<find_first_set>} : vector<16xi1> -> vector<16xi32>
      %eq3A_239 = arith.cmpi eq, %iota3A, %all_reduce_ffs3A_238 : vector<16xi32>
      %jit3A_240 = arith.constant -3.000000e+38 : f32
      %broadcast_in_dim3A_241 = vector.broadcast %jit3A_240 : f32 to vector<16xf32>
      %select_n3A_242 = arith.select %eq3A_239, %broadcast_in_dim3A_241, %get3A_231 : vector<16xi1>, vector<16xf32>
      %reduce_max3A_243 = arith.constant true
      %reduce_max3A_244 = vector.broadcast %reduce_max3A_243 : i1 to vector<16xi1>
      %reduce_max3A_245 = tpu.scan <max>, %select_n3A_242 masked %reduce_max3A_244 : vector<16xf32>, vector<16xi1> -> vector<16xf32>
      %reduce_max3A_246 = vector.extract %reduce_max3A_245[15] : f32 from vector<16xf32>
      %eq3A_247 = vector.broadcast %reduce_max3A_246 : f32 to vector<16xf32>
      %eq3A_248 = arith.cmpf oeq, %select_n3A_242, %eq3A_247 : vector<16xf32>
      %all_reduce_ffs3A_249 = tpu.all_reduce %eq3A_248 {dim = 0 : i64, kind = #tpu.reduction_kind<find_first_set>} : vector<16xi1> -> vector<16xi32>
      %neg3A_250 = arith.constant 0.000000e+00 : f32
      %neg3A_251 = arith.subf %neg3A_250, %reduce_max3A_235 : f32
      %broadcast_in_dim3A_252 = vector.broadcast %neg3A_251 : f32 to vector<16xf32>
      %exp3A_253 = math.exp %broadcast_in_dim3A_252 : vector<16xf32>
      %add3A_254 = arith.constant 1.000000e+00 : f32
      %add3A_255 = vector.broadcast %add3A_254 : f32 to vector<16xf32>
      %add3A_256 = arith.addf %add3A_255, %exp3A_253 : vector<16xf32>
      %div3A_257 = arith.constant 1.000000e+00 : f32
      %div3A_258 = vector.broadcast %div3A_257 : f32 to vector<16xf32>
      %div3A_259 = arith.divf %div3A_258, %add3A_256 : vector<16xf32>
      %neg3A_260 = arith.constant 0.000000e+00 : f32
      %neg3A_261 = arith.subf %neg3A_260, %reduce_max3A_246 : f32
      %broadcast_in_dim3A_262 = vector.broadcast %neg3A_261 : f32 to vector<16xf32>
      %exp3A_263 = math.exp %broadcast_in_dim3A_262 : vector<16xf32>
      %add3A_264 = arith.constant 1.000000e+00 : f32
      %add3A_265 = vector.broadcast %add3A_264 : f32 to vector<16xf32>
      %add3A_266 = arith.addf %add3A_265, %exp3A_263 : vector<16xf32>
      %div3A_267 = arith.constant 1.000000e+00 : f32
      %div3A_268 = vector.broadcast %div3A_267 : f32 to vector<16xf32>
      %div3A_269 = arith.divf %div3A_268, %add3A_266 : vector<16xf32>
      %add3A_270 = arith.addf %div3A_259, %div3A_269 : vector<16xf32>
      %div3A_271 = arith.divf %div3A_259, %add3A_270 : vector<16xf32>
      %div3A_272 = arith.divf %div3A_269, %add3A_270 : vector<16xf32>
      %eq3A_273 = arith.cmpi eq, %iota3A, %all_reduce_ffs3A_238 : vector<16xi32>
      %eq3A_274 = arith.cmpi eq, %iota3A, %all_reduce_ffs3A_249 : vector<16xi32>
      %jit3A_275 = arith.constant 0.000000e+00 : f32
      %broadcast_in_dim3A_276 = vector.broadcast %jit3A_275 : f32 to vector<16xf32>
      %select_n3A_277 = arith.select %eq3A_274, %div3A_272, %broadcast_in_dim3A_276 : vector<16xi1>, vector<16xf32>
      %select_n3A_278 = arith.select %eq3A_273, %div3A_271, %select_n3A_277 : vector<16xi1>, vector<16xf32>
      %swap3A_279 = arith.index_cast %add3A_228 : i32 to index
      %swap3A_280 = arith.constant 0 : index
      %swap3A_281 = tpu.vector_load %arg9[%swap3A_279, %swap3A_280] {strides = array<i32>} : memref<256x16xf32, #tpu.memory_space<vmem>>, vector<16xf32>,
      tpu.vector_store %arg9[%swap3A_279, %swap3A_280], %select_n3A_278 {strides = array<i32>} : memref<256x16xf32, #tpu.memory_space<vmem>>, vector<16xf32>,
      %eq3A_282 = arith.constant 6 : i32
      %eq3A_283 = vector.broadcast %eq3A_282 : i32 to vector<16xi32>
      %eq3A_284 = arith.cmpi eq, %iota3A, %eq3A_283 : vector<16xi32>
      %eq3A_285 = arith.constant 7 : i32
      %eq3A_286 = vector.broadcast %eq3A_285 : i32 to vector<16xi32>
      %eq3A_287 = arith.cmpi eq, %iota3A, %eq3A_286 : vector<16xi32>
      %select_n3A_288 = arith.select %eq3A_287, %div3A_272, %select_n3A_216 : vector<16xi1>, vector<16xf32>
      %select_n3A_289 = arith.select %eq3A_284, %div3A_271, %select_n3A_288 : vector<16xi1>, vector<16xf32>
      %eq3A_290 = arith.constant 6 : i32
      %eq3A_291 = vector.broadcast %eq3A_290 : i32 to vector<16xi32>
      %eq3A_292 = arith.cmpi eq, %iota3A, %eq3A_291 : vector<16xi32>
      %eq3A_293 = arith.constant 7 : i32
      %eq3A_294 = vector.broadcast %eq3A_293 : i32 to vector<16xi32>
      %eq3A_295 = arith.cmpi eq, %iota3A, %eq3A_294 : vector<16xi32>
      %select_n3A_296 = arith.select %eq3A_295, %all_reduce_ffs3A_249, %select_n3A_224 : vector<16xi1>, vector<16xi32>
      %select_n3A_297 = arith.select %eq3A_292, %all_reduce_ffs3A_238, %select_n3A_296 : vector<16xi1>, vector<16xi32>
      %mul3A_298 = arith.constant 8 : i32
      %mul3A_299 = arith.muli %scan3A_12, %mul3A_298 : i32
      %add3A_300 = arith.constant 4 : i32
      %add3A_301 = arith.addi %mul3A_299, %add3A_300 : i32
      %get3A_302 = arith.index_cast %add3A_301 : i32 to index
      %get3A_303 = arith.constant 0 : index
      %get3A_304 = tpu.vector_load %arg6[%get3A_302, %get3A_303] {strides = array<i32>} : memref<256x16xf32, #tpu.memory_space<vmem>>, vector<16xf32>,
      %reduce_max3A_305 = arith.constant true
      %reduce_max3A_306 = vector.broadcast %reduce_max3A_305 : i1 to vector<16xi1>
      %reduce_max3A_307 = tpu.scan <max>, %get3A_304 masked %reduce_max3A_306 : vector<16xf32>, vector<16xi1> -> vector<16xf32>
      %reduce_max3A_308 = vector.extract %reduce_max3A_307[15] : f32 from vector<16xf32>
      %eq3A_309 = vector.broadcast %reduce_max3A_308 : f32 to vector<16xf32>
      %eq3A_310 = arith.cmpf oeq, %get3A_304, %eq3A_309 : vector<16xf32>
      %all_reduce_ffs3A_311 = tpu.all_reduce %eq3A_310 {dim = 0 : i64, kind = #tpu.reduction_kind<find_first_set>} : vector<16xi1> -> vector<16xi32>
      %eq3A_312 = arith.cmpi eq, %iota3A, %all_reduce_ffs3A_311 : vector<16xi32>
      %jit3A_313 = arith.constant -3.000000e+38 : f32
      %broadcast_in_dim3A_314 = vector.broadcast %jit3A_313 : f32 to vector<16xf32>
      %select_n3A_315 = arith.select %eq3A_312, %broadcast_in_dim3A_314, %get3A_304 : vector<16xi1>, vector<16xf32>
      %reduce_max3A_316 = arith.constant true
      %reduce_max3A_317 = vector.broadcast %reduce_max3A_316 : i1 to vector<16xi1>
      %reduce_max3A_318 = tpu.scan <max>, %select_n3A_315 masked %reduce_max3A_317 : vector<16xf32>, vector<16xi1> -> vector<16xf32>
      %reduce_max3A_319 = vector.extract %reduce_max3A_318[15] : f32 from vector<16xf32>
      %eq3A_320 = vector.broadcast %reduce_max3A_319 : f32 to vector<16xf32>
      %eq3A_321 = arith.cmpf oeq, %select_n3A_315, %eq3A_320 : vector<16xf32>
      %all_reduce_ffs3A_322 = tpu.all_reduce %eq3A_321 {dim = 0 : i64, kind = #tpu.reduction_kind<find_first_set>} : vector<16xi1> -> vector<16xi32>
      %neg3A_323 = arith.constant 0.000000e+00 : f32
      %neg3A_324 = arith.subf %neg3A_323, %reduce_max3A_308 : f32
      %broadcast_in_dim3A_325 = vector.broadcast %neg3A_324 : f32 to vector<16xf32>
      %exp3A_326 = math.exp %broadcast_in_dim3A_325 : vector<16xf32>
      %add3A_327 = arith.constant 1.000000e+00 : f32
      %add3A_328 = vector.broadcast %add3A_327 : f32 to vector<16xf32>
      %add3A_329 = arith.addf %add3A_328, %exp3A_326 : vector<16xf32>
      %div3A_330 = arith.constant 1.000000e+00 : f32
      %div3A_331 = vector.broadcast %div3A_330 : f32 to vector<16xf32>
      %div3A_332 = arith.divf %div3A_331, %add3A_329 : vector<16xf32>
      %neg3A_333 = arith.constant 0.000000e+00 : f32
      %neg3A_334 = arith.subf %neg3A_333, %reduce_max3A_319 : f32
      %broadcast_in_dim3A_335 = vector.broadcast %neg3A_334 : f32 to vector<16xf32>
      %exp3A_336 = math.exp %broadcast_in_dim3A_335 : vector<16xf32>
      %add3A_337 = arith.constant 1.000000e+00 : f32
      %add3A_338 = vector.broadcast %add3A_337 : f32 to vector<16xf32>
      %add3A_339 = arith.addf %add3A_338, %exp3A_336 : vector<16xf32>
      %div3A_340 = arith.constant 1.000000e+00 : f32
      %div3A_341 = vector.broadcast %div3A_340 : f32 to vector<16xf32>
      %div3A_342 = arith.divf %div3A_341, %add3A_339 : vector<16xf32>
      %add3A_343 = arith.addf %div3A_332, %div3A_342 : vector<16xf32>
      %div3A_344 = arith.divf %div3A_332, %add3A_343 : vector<16xf32>
      %div3A_345 = arith.divf %div3A_342, %add3A_343 : vector<16xf32>
      %eq3A_346 = arith.cmpi eq, %iota3A, %all_reduce_ffs3A_311 : vector<16xi32>
      %eq3A_347 = arith.cmpi eq, %iota3A, %all_reduce_ffs3A_322 : vector<16xi32>
      %jit3A_348 = arith.constant 0.000000e+00 : f32
      %broadcast_in_dim3A_349 = vector.broadcast %jit3A_348 : f32 to vector<16xf32>
      %select_n3A_350 = arith.select %eq3A_347, %div3A_345, %broadcast_in_dim3A_349 : vector<16xi1>, vector<16xf32>
      %select_n3A_351 = arith.select %eq3A_346, %div3A_344, %select_n3A_350 : vector<16xi1>, vector<16xf32>
      %swap3A_352 = arith.index_cast %add3A_301 : i32 to index
      %swap3A_353 = arith.constant 0 : index
      %swap3A_354 = tpu.vector_load %arg9[%swap3A_352, %swap3A_353] {strides = array<i32>} : memref<256x16xf32, #tpu.memory_space<vmem>>, vector<16xf32>,
      tpu.vector_store %arg9[%swap3A_352, %swap3A_353], %select_n3A_351 {strides = array<i32>} : memref<256x16xf32, #tpu.memory_space<vmem>>, vector<16xf32>,
      %eq3A_355 = arith.constant 8 : i32
      %eq3A_356 = vector.broadcast %eq3A_355 : i32 to vector<16xi32>
      %eq3A_357 = arith.cmpi eq, %iota3A, %eq3A_356 : vector<16xi32>
      %eq3A_358 = arith.constant 9 : i32
      %eq3A_359 = vector.broadcast %eq3A_358 : i32 to vector<16xi32>
      %eq3A_360 = arith.cmpi eq, %iota3A, %eq3A_359 : vector<16xi32>
      %select_n3A_361 = arith.select %eq3A_360, %div3A_345, %select_n3A_289 : vector<16xi1>, vector<16xf32>
      %select_n3A_362 = arith.select %eq3A_357, %div3A_344, %select_n3A_361 : vector<16xi1>, vector<16xf32>
      %eq3A_363 = arith.constant 8 : i32
      %eq3A_364 = vector.broadcast %eq3A_363 : i32 to vector<16xi32>
      %eq3A_365 = arith.cmpi eq, %iota3A, %eq3A_364 : vector<16xi32>
      %eq3A_366 = arith.constant 9 : i32
      %eq3A_367 = vector.broadcast %eq3A_366 : i32 to vector<16xi32>
      %eq3A_368 = arith.cmpi eq, %iota3A, %eq3A_367 : vector<16xi32>
      %select_n3A_369 = arith.select %eq3A_368, %all_reduce_ffs3A_322, %select_n3A_297 : vector<16xi1>, vector<16xi32>
      %select_n3A_370 = arith.select %eq3A_365, %all_reduce_ffs3A_311, %select_n3A_369 : vector<16xi1>, vector<16xi32>
      %mul3A_371 = arith.constant 8 : i32
      %mul3A_372 = arith.muli %scan3A_12, %mul3A_371 : i32
      %add3A_373 = arith.constant 5 : i32
      %add3A_374 = arith.addi %mul3A_372, %add3A_373 : i32
      %get3A_375 = arith.index_cast %add3A_374 : i32 to index
      %get3A_376 = arith.constant 0 : index
      %get3A_377 = tpu.vector_load %arg6[%get3A_375, %get3A_376] {strides = array<i32>} : memref<256x16xf32, #tpu.memory_space<vmem>>, vector<16xf32>,
      %reduce_max3A_378 = arith.constant true
      %reduce_max3A_379 = vector.broadcast %reduce_max3A_378 : i1 to vector<16xi1>
      %reduce_max3A_380 = tpu.scan <max>, %get3A_377 masked %reduce_max3A_379 : vector<16xf32>, vector<16xi1> -> vector<16xf32>
      %reduce_max3A_381 = vector.extract %reduce_max3A_380[15] : f32 from vector<16xf32>
      %eq3A_382 = vector.broadcast %reduce_max3A_381 : f32 to vector<16xf32>
      %eq3A_383 = arith.cmpf oeq, %get3A_377, %eq3A_382 : vector<16xf32>
      %all_reduce_ffs3A_384 = tpu.all_reduce %eq3A_383 {dim = 0 : i64, kind = #tpu.reduction_kind<find_first_set>} : vector<16xi1> -> vector<16xi32>
      %eq3A_385 = arith.cmpi eq, %iota3A, %all_reduce_ffs3A_384 : vector<16xi32>
      %jit3A_386 = arith.constant -3.000000e+38 : f32
      %broadcast_in_dim3A_387 = vector.broadcast %jit3A_386 : f32 to vector<16xf32>
      %select_n3A_388 = arith.select %eq3A_385, %broadcast_in_dim3A_387, %get3A_377 : vector<16xi1>, vector<16xf32>
      %reduce_max3A_389 = arith.constant true
      %reduce_max3A_390 = vector.broadcast %reduce_max3A_389 : i1 to vector<16xi1>
      %reduce_max3A_391 = tpu.scan <max>, %select_n3A_388 masked %reduce_max3A_390 : vector<16xf32>, vector<16xi1> -> vector<16xf32>
      %reduce_max3A_392 = vector.extract %reduce_max3A_391[15] : f32 from vector<16xf32>
      %eq3A_393 = vector.broadcast %reduce_max3A_392 : f32 to vector<16xf32>
      %eq3A_394 = arith.cmpf oeq, %select_n3A_388, %eq3A_393 : vector<16xf32>
      %all_reduce_ffs3A_395 = tpu.all_reduce %eq3A_394 {dim = 0 : i64, kind = #tpu.reduction_kind<find_first_set>} : vector<16xi1> -> vector<16xi32>
      %neg3A_396 = arith.constant 0.000000e+00 : f32
      %neg3A_397 = arith.subf %neg3A_396, %reduce_max3A_381 : f32
      %broadcast_in_dim3A_398 = vector.broadcast %neg3A_397 : f32 to vector<16xf32>
      %exp3A_399 = math.exp %broadcast_in_dim3A_398 : vector<16xf32>
      %add3A_400 = arith.constant 1.000000e+00 : f32
      %add3A_401 = vector.broadcast %add3A_400 : f32 to vector<16xf32>
      %add3A_402 = arith.addf %add3A_401, %exp3A_399 : vector<16xf32>
      %div3A_403 = arith.constant 1.000000e+00 : f32
      %div3A_404 = vector.broadcast %div3A_403 : f32 to vector<16xf32>
      %div3A_405 = arith.divf %div3A_404, %add3A_402 : vector<16xf32>
      %neg3A_406 = arith.constant 0.000000e+00 : f32
      %neg3A_407 = arith.subf %neg3A_406, %reduce_max3A_392 : f32
      %broadcast_in_dim3A_408 = vector.broadcast %neg3A_407 : f32 to vector<16xf32>
      %exp3A_409 = math.exp %broadcast_in_dim3A_408 : vector<16xf32>
      %add3A_410 = arith.constant 1.000000e+00 : f32
      %add3A_411 = vector.broadcast %add3A_410 : f32 to vector<16xf32>
      %add3A_412 = arith.addf %add3A_411, %exp3A_409 : vector<16xf32>
      %div3A_413 = arith.constant 1.000000e+00 : f32
      %div3A_414 = vector.broadcast %div3A_413 : f32 to vector<16xf32>
      %div3A_415 = arith.divf %div3A_414, %add3A_412 : vector<16xf32>
      %add3A_416 = arith.addf %div3A_405, %div3A_415 : vector<16xf32>
      %div3A_417 = arith.divf %div3A_405, %add3A_416 : vector<16xf32>
      %div3A_418 = arith.divf %div3A_415, %add3A_416 : vector<16xf32>
      %eq3A_419 = arith.cmpi eq, %iota3A, %all_reduce_ffs3A_384 : vector<16xi32>
      %eq3A_420 = arith.cmpi eq, %iota3A, %all_reduce_ffs3A_395 : vector<16xi32>
      %jit3A_421 = arith.constant 0.000000e+00 : f32
      %broadcast_in_dim3A_422 = vector.broadcast %jit3A_421 : f32 to vector<16xf32>
      %select_n3A_423 = arith.select %eq3A_420, %div3A_418, %broadcast_in_dim3A_422 : vector<16xi1>, vector<16xf32>
      %select_n3A_424 = arith.select %eq3A_419, %div3A_417, %select_n3A_423 : vector<16xi1>, vector<16xf32>
      %swap3A_425 = arith.index_cast %add3A_374 : i32 to index
      %swap3A_426 = arith.constant 0 : index
      %swap3A_427 = tpu.vector_load %arg9[%swap3A_425, %swap3A_426] {strides = array<i32>} : memref<256x16xf32, #tpu.memory_space<vmem>>, vector<16xf32>,
      tpu.vector_store %arg9[%swap3A_425, %swap3A_426], %select_n3A_424 {strides = array<i32>} : memref<256x16xf32, #tpu.memory_space<vmem>>, vector<16xf32>,
      %eq3A_428 = arith.constant 10 : i32
      %eq3A_429 = vector.broadcast %eq3A_428 : i32 to vector<16xi32>
      %eq3A_430 = arith.cmpi eq, %iota3A, %eq3A_429 : vector<16xi32>
      %eq3A_431 = arith.constant 11 : i32
      %eq3A_432 = vector.broadcast %eq3A_431 : i32 to vector<16xi32>
      %eq3A_433 = arith.cmpi eq, %iota3A, %eq3A_432 : vector<16xi32>
      %select_n3A_434 = arith.select %eq3A_433, %div3A_418, %select_n3A_362 : vector<16xi1>, vector<16xf32>
      %select_n3A_435 = arith.select %eq3A_430, %div3A_417, %select_n3A_434 : vector<16xi1>, vector<16xf32>
      %eq3A_436 = arith.constant 10 : i32
      %eq3A_437 = vector.broadcast %eq3A_436 : i32 to vector<16xi32>
      %eq3A_438 = arith.cmpi eq, %iota3A, %eq3A_437 : vector<16xi32>
      %eq3A_439 = arith.constant 11 : i32
      %eq3A_440 = vector.broadcast %eq3A_439 : i32 to vector<16xi32>
      %eq3A_441 = arith.cmpi eq, %iota3A, %eq3A_440 : vector<16xi32>
      %select_n3A_442 = arith.select %eq3A_441, %all_reduce_ffs3A_395, %select_n3A_370 : vector<16xi1>, vector<16xi32>
      %select_n3A_443 = arith.select %eq3A_438, %all_reduce_ffs3A_384, %select_n3A_442 : vector<16xi1>, vector<16xi32>
      %mul3A_444 = arith.constant 8 : i32
      %mul3A_445 = arith.muli %scan3A_12, %mul3A_444 : i32
      %add3A_446 = arith.constant 6 : i32
      %add3A_447 = arith.addi %mul3A_445, %add3A_446 : i32
      %get3A_448 = arith.index_cast %add3A_447 : i32 to index
      %get3A_449 = arith.constant 0 : index
      %get3A_450 = tpu.vector_load %arg6[%get3A_448, %get3A_449] {strides = array<i32>} : memref<256x16xf32, #tpu.memory_space<vmem>>, vector<16xf32>,
      %reduce_max3A_451 = arith.constant true
      %reduce_max3A_452 = vector.broadcast %reduce_max3A_451 : i1 to vector<16xi1>
      %reduce_max3A_453 = tpu.scan <max>, %get3A_450 masked %reduce_max3A_452 : vector<16xf32>, vector<16xi1> -> vector<16xf32>
      %reduce_max3A_454 = vector.extract %reduce_max3A_453[15] : f32 from vector<16xf32>
      %eq3A_455 = vector.broadcast %reduce_max3A_454 : f32 to vector<16xf32>
      %eq3A_456 = arith.cmpf oeq, %get3A_450, %eq3A_455 : vector<16xf32>
      %all_reduce_ffs3A_457 = tpu.all_reduce %eq3A_456 {dim = 0 : i64, kind = #tpu.reduction_kind<find_first_set>} : vector<16xi1> -> vector<16xi32>
      %eq3A_458 = arith.cmpi eq, %iota3A, %all_reduce_ffs3A_457 : vector<16xi32>
      %jit3A_459 = arith.constant -3.000000e+38 : f32
      %broadcast_in_dim3A_460 = vector.broadcast %jit3A_459 : f32 to vector<16xf32>
      %select_n3A_461 = arith.select %eq3A_458, %broadcast_in_dim3A_460, %get3A_450 : vector<16xi1>, vector<16xf32>
      %reduce_max3A_462 = arith.constant true
      %reduce_max3A_463 = vector.broadcast %reduce_max3A_462 : i1 to vector<16xi1>
      %reduce_max3A_464 = tpu.scan <max>, %select_n3A_461 masked %reduce_max3A_463 : vector<16xf32>, vector<16xi1> -> vector<16xf32>
      %reduce_max3A_465 = vector.extract %reduce_max3A_464[15] : f32 from vector<16xf32>
      %eq3A_466 = vector.broadcast %reduce_max3A_465 : f32 to vector<16xf32>
      %eq3A_467 = arith.cmpf oeq, %select_n3A_461, %eq3A_466 : vector<16xf32>
      %all_reduce_ffs3A_468 = tpu.all_reduce %eq3A_467 {dim = 0 : i64, kind = #tpu.reduction_kind<find_first_set>} : vector<16xi1> -> vector<16xi32>
      %neg3A_469 = arith.constant 0.000000e+00 : f32
      %neg3A_470 = arith.subf %neg3A_469, %reduce_max3A_454 : f32
      %broadcast_in_dim3A_471 = vector.broadcast %neg3A_470 : f32 to vector<16xf32>
      %exp3A_472 = math.exp %broadcast_in_dim3A_471 : vector<16xf32>
      %add3A_473 = arith.constant 1.000000e+00 : f32
      %add3A_474 = vector.broadcast %add3A_473 : f32 to vector<16xf32>
      %add3A_475 = arith.addf %add3A_474, %exp3A_472 : vector<16xf32>
      %div3A_476 = arith.constant 1.000000e+00 : f32
      %div3A_477 = vector.broadcast %div3A_476 : f32 to vector<16xf32>
      %div3A_478 = arith.divf %div3A_477, %add3A_475 : vector<16xf32>
      %neg3A_479 = arith.constant 0.000000e+00 : f32
      %neg3A_480 = arith.subf %neg3A_479, %reduce_max3A_465 : f32
      %broadcast_in_dim3A_481 = vector.broadcast %neg3A_480 : f32 to vector<16xf32>
      %exp3A_482 = math.exp %broadcast_in_dim3A_481 : vector<16xf32>
      %add3A_483 = arith.constant 1.000000e+00 : f32
      %add3A_484 = vector.broadcast %add3A_483 : f32 to vector<16xf32>
      %add3A_485 = arith.addf %add3A_484, %exp3A_482 : vector<16xf32>
      %div3A_486 = arith.constant 1.000000e+00 : f32
      %div3A_487 = vector.broadcast %div3A_486 : f32 to vector<16xf32>
      %div3A_488 = arith.divf %div3A_487, %add3A_485 : vector<16xf32>
      %add3A_489 = arith.addf %div3A_478, %div3A_488 : vector<16xf32>
      %div3A_490 = arith.divf %div3A_478, %add3A_489 : vector<16xf32>
      %div3A_491 = arith.divf %div3A_488, %add3A_489 : vector<16xf32>
      %eq3A_492 = arith.cmpi eq, %iota3A, %all_reduce_ffs3A_457 : vector<16xi32>
      %eq3A_493 = arith.cmpi eq, %iota3A, %all_reduce_ffs3A_468 : vector<16xi32>
      %jit3A_494 = arith.constant 0.000000e+00 : f32
      %broadcast_in_dim3A_495 = vector.broadcast %jit3A_494 : f32 to vector<16xf32>
      %select_n3A_496 = arith.select %eq3A_493, %div3A_491, %broadcast_in_dim3A_495 : vector<16xi1>, vector<16xf32>
      %select_n3A_497 = arith.select %eq3A_492, %div3A_490, %select_n3A_496 : vector<16xi1>, vector<16xf32>
      %swap3A_498 = arith.index_cast %add3A_447 : i32 to index
      %swap3A_499 = arith.constant 0 : index
      %swap3A_500 = tpu.vector_load %arg9[%swap3A_498, %swap3A_499] {strides = array<i32>} : memref<256x16xf32, #tpu.memory_space<vmem>>, vector<16xf32>,
      tpu.vector_store %arg9[%swap3A_498, %swap3A_499], %select_n3A_497 {strides = array<i32>} : memref<256x16xf32, #tpu.memory_space<vmem>>, vector<16xf32>,
      %eq3A_501 = arith.constant 12 : i32
      %eq3A_502 = vector.broadcast %eq3A_501 : i32 to vector<16xi32>
      %eq3A_503 = arith.cmpi eq, %iota3A, %eq3A_502 : vector<16xi32>
      %eq3A_504 = arith.constant 13 : i32
      %eq3A_505 = vector.broadcast %eq3A_504 : i32 to vector<16xi32>
      %eq3A_506 = arith.cmpi eq, %iota3A, %eq3A_505 : vector<16xi32>
      %select_n3A_507 = arith.select %eq3A_506, %div3A_491, %select_n3A_435 : vector<16xi1>, vector<16xf32>
      %select_n3A_508 = arith.select %eq3A_503, %div3A_490, %select_n3A_507 : vector<16xi1>, vector<16xf32>
      %eq3A_509 = arith.constant 12 : i32
      %eq3A_510 = vector.broadcast %eq3A_509 : i32 to vector<16xi32>
      %eq3A_511 = arith.cmpi eq, %iota3A, %eq3A_510 : vector<16xi32>
      %eq3A_512 = arith.constant 13 : i32
      %eq3A_513 = vector.broadcast %eq3A_512 : i32 to vector<16xi32>
      %eq3A_514 = arith.cmpi eq, %iota3A, %eq3A_513 : vector<16xi32>
      %select_n3A_515 = arith.select %eq3A_514, %all_reduce_ffs3A_468, %select_n3A_443 : vector<16xi1>, vector<16xi32>
      %select_n3A_516 = arith.select %eq3A_511, %all_reduce_ffs3A_457, %select_n3A_515 : vector<16xi1>, vector<16xi32>
      %mul3A_517 = arith.constant 8 : i32
      %mul3A_518 = arith.muli %scan3A_12, %mul3A_517 : i32
      %add3A_519 = arith.constant 7 : i32
      %add3A_520 = arith.addi %mul3A_518, %add3A_519 : i32
      %get3A_521 = arith.index_cast %add3A_520 : i32 to index
      %get3A_522 = arith.constant 0 : index
      %get3A_523 = tpu.vector_load %arg6[%get3A_521, %get3A_522] {strides = array<i32>} : memref<256x16xf32, #tpu.memory_space<vmem>>, vector<16xf32>,
      %reduce_max3A_524 = arith.constant true
      %reduce_max3A_525 = vector.broadcast %reduce_max3A_524 : i1 to vector<16xi1>
      %reduce_max3A_526 = tpu.scan <max>, %get3A_523 masked %reduce_max3A_525 : vector<16xf32>, vector<16xi1> -> vector<16xf32>
      %reduce_max3A_527 = vector.extract %reduce_max3A_526[15] : f32 from vector<16xf32>
      %eq3A_528 = vector.broadcast %reduce_max3A_527 : f32 to vector<16xf32>
      %eq3A_529 = arith.cmpf oeq, %get3A_523, %eq3A_528 : vector<16xf32>
      %all_reduce_ffs3A_530 = tpu.all_reduce %eq3A_529 {dim = 0 : i64, kind = #tpu.reduction_kind<find_first_set>} : vector<16xi1> -> vector<16xi32>
      %eq3A_531 = arith.cmpi eq, %iota3A, %all_reduce_ffs3A_530 : vector<16xi32>
      %jit3A_532 = arith.constant -3.000000e+38 : f32
      %broadcast_in_dim3A_533 = vector.broadcast %jit3A_532 : f32 to vector<16xf32>
      %select_n3A_534 = arith.select %eq3A_531, %broadcast_in_dim3A_533, %get3A_523 : vector<16xi1>, vector<16xf32>
      %reduce_max3A_535 = arith.constant true
      %reduce_max3A_536 = vector.broadcast %reduce_max3A_535 : i1 to vector<16xi1>
      %reduce_max3A_537 = tpu.scan <max>, %select_n3A_534 masked %reduce_max3A_536 : vector<16xf32>, vector<16xi1> -> vector<16xf32>
      %reduce_max3A_538 = vector.extract %reduce_max3A_537[15] : f32 from vector<16xf32>
      %eq3A_539 = vector.broadcast %reduce_max3A_538 : f32 to vector<16xf32>
      %eq3A_540 = arith.cmpf oeq, %select_n3A_534, %eq3A_539 : vector<16xf32>
      %all_reduce_ffs3A_541 = tpu.all_reduce %eq3A_540 {dim = 0 : i64, kind = #tpu.reduction_kind<find_first_set>} : vector<16xi1> -> vector<16xi32>
      %neg3A_542 = arith.constant 0.000000e+00 : f32
      %neg3A_543 = arith.subf %neg3A_542, %reduce_max3A_527 : f32
      %broadcast_in_dim3A_544 = vector.broadcast %neg3A_543 : f32 to vector<16xf32>
      %exp3A_545 = math.exp %broadcast_in_dim3A_544 : vector<16xf32>
      %add3A_546 = arith.constant 1.000000e+00 : f32
      %add3A_547 = vector.broadcast %add3A_546 : f32 to vector<16xf32>
      %add3A_548 = arith.addf %add3A_547, %exp3A_545 : vector<16xf32>
      %div3A_549 = arith.constant 1.000000e+00 : f32
      %div3A_550 = vector.broadcast %div3A_549 : f32 to vector<16xf32>
      %div3A_551 = arith.divf %div3A_550, %add3A_548 : vector<16xf32>
      %neg3A_552 = arith.constant 0.000000e+00 : f32
      %neg3A_553 = arith.subf %neg3A_552, %reduce_max3A_538 : f32
      %broadcast_in_dim3A_554 = vector.broadcast %neg3A_553 : f32 to vector<16xf32>
      %exp3A_555 = math.exp %broadcast_in_dim3A_554 : vector<16xf32>
      %add3A_556 = arith.constant 1.000000e+00 : f32
      %add3A_557 = vector.broadcast %add3A_556 : f32 to vector<16xf32>
      %add3A_558 = arith.addf %add3A_557, %exp3A_555 : vector<16xf32>
      %div3A_559 = arith.constant 1.000000e+00 : f32
      %div3A_560 = vector.broadcast %div3A_559 : f32 to vector<16xf32>
      %div3A_561 = arith.divf %div3A_560, %add3A_558 : vector<16xf32>
      %add3A_562 = arith.addf %div3A_551, %div3A_561 : vector<16xf32>
      %div3A_563 = arith.divf %div3A_551, %add3A_562 : vector<16xf32>
      %div3A_564 = arith.divf %div3A_561, %add3A_562 : vector<16xf32>
      %eq3A_565 = arith.cmpi eq, %iota3A, %all_reduce_ffs3A_530 : vector<16xi32>
      %eq3A_566 = arith.cmpi eq, %iota3A, %all_reduce_ffs3A_541 : vector<16xi32>
      %jit3A_567 = arith.constant 0.000000e+00 : f32
      %broadcast_in_dim3A_568 = vector.broadcast %jit3A_567 : f32 to vector<16xf32>
      %select_n3A_569 = arith.select %eq3A_566, %div3A_564, %broadcast_in_dim3A_568 : vector<16xi1>, vector<16xf32>
      %select_n3A_570 = arith.select %eq3A_565, %div3A_563, %select_n3A_569 : vector<16xi1>, vector<16xf32>
      %swap3A_571 = arith.index_cast %add3A_520 : i32 to index
      %swap3A_572 = arith.constant 0 : index
      %swap3A_573 = tpu.vector_load %arg9[%swap3A_571, %swap3A_572] {strides = array<i32>} : memref<256x16xf32, #tpu.memory_space<vmem>>, vector<16xf32>,
      tpu.vector_store %arg9[%swap3A_571, %swap3A_572], %select_n3A_570 {strides = array<i32>} : memref<256x16xf32, #tpu.memory_space<vmem>>, vector<16xf32>,
      %eq3A_574 = arith.constant 14 : i32
      %eq3A_575 = vector.broadcast %eq3A_574 : i32 to vector<16xi32>
      %eq3A_576 = arith.cmpi eq, %iota3A, %eq3A_575 : vector<16xi32>
      %eq3A_577 = arith.constant 15 : i32
      %eq3A_578 = vector.broadcast %eq3A_577 : i32 to vector<16xi32>
      %eq3A_579 = arith.cmpi eq, %iota3A, %eq3A_578 : vector<16xi32>
      %select_n3A_580 = arith.select %eq3A_579, %div3A_564, %select_n3A_508 : vector<16xi1>, vector<16xf32>
      %select_n3A_581 = arith.select %eq3A_576, %div3A_563, %select_n3A_580 : vector<16xi1>, vector<16xf32>
      %eq3A_582 = arith.constant 14 : i32
      %eq3A_583 = vector.broadcast %eq3A_582 : i32 to vector<16xi32>
      %eq3A_584 = arith.cmpi eq, %iota3A, %eq3A_583 : vector<16xi32>
      %eq3A_585 = arith.constant 15 : i32
      %eq3A_586 = vector.broadcast %eq3A_585 : i32 to vector<16xi32>
      %eq3A_587 = arith.cmpi eq, %iota3A, %eq3A_586 : vector<16xi32>
      %select_n3A_588 = arith.select %eq3A_587, %all_reduce_ffs3A_541, %select_n3A_516 : vector<16xi1>, vector<16xi32>
      %select_n3A_589 = arith.select %eq3A_584, %all_reduce_ffs3A_530, %select_n3A_588 : vector<16xi1>, vector<16xi32>
      %mul3A_590 = arith.constant 16 : i32
      %mul3A_591 = arith.muli %scan3A_12, %mul3A_590 : i32
      %swap3A_592 = arith.index_cast %mul3A_591 : i32 to index
      %swap3A_593 = tpu.vector_load %arg7[%swap3A_592] {strides = array<i32>} : memref<512xf32, #tpu.memory_space<vmem>>, vector<16xf32>,
      tpu.vector_store %arg7[%swap3A_592], %select_n3A_581 {strides = array<i32>} : memref<512xf32, #tpu.memory_space<vmem>>, vector<16xf32>,
      %mul3A_594 = arith.constant 16 : i32
      %mul3A_595 = arith.muli %scan3A_12, %mul3A_594 : i32
      %swap3A_596 = arith.index_cast %mul3A_595 : i32 to index
      %swap3A_597 = tpu.vector_load %arg8[%swap3A_596] {strides = array<i32>} : memref<512xi32, #tpu.memory_space<vmem>>, vector<16xi32>,
      tpu.vector_store %arg8[%swap3A_596], %select_n3A_589 {strides = array<i32>} : memref<512xi32, #tpu.memory_space<vmem>>, vector<16xi32>,
    }
    %scan3A_7 = arith.constant 32 : i32
    %mul3A_8 = arith.constant 2 : i32
    %mul3A_9 = arith.muli %mul3A_2, %mul3A_8 : i32
    "tpu.region"() ({
      %run_scoped3A = tpu.sem_alloc : memref<!tpu.dma_semaphore, #tpu.memory_space<semaphore_mem>>
      %dma_start3A = tpu.memref_slice %arg3[%mul3A_9] : memref<16384xf32, #tpu.memory_space<hbm>> -> memref<512xf32, #tpu.memory_space<hbm>>
      %dma_start3A_12 = tpu.memref_slice %arg3[%mul3A_9] : memref<16384xf32, #tpu.memory_space<hbm>> -> memref<512xf32, #tpu.memory_space<hbm>>
      tpu.enqueue_dma source(%arg7 : memref<512xf32, #tpu.memory_space<vmem>>) target(%dma_start3A_12 : memref<512xf32, #tpu.memory_space<hbm>>) target_semaphore(%run_scoped3A : memref<!tpu.dma_semaphore, #tpu.memory_space<semaphore_mem>>)
      %dma_wait3A = tpu.memref_slice %arg3[%mul3A_9] : memref<16384xf32, #tpu.memory_space<hbm>> -> memref<512xf32, #tpu.memory_space<hbm>>
      %dma_wait3A_13 = tpu.memref_slice %arg3[%mul3A_9] : memref<16384xf32, #tpu.memory_space<hbm>> -> memref<512xf32, #tpu.memory_space<hbm>>
      tpu.wait_dma2 semaphore(%run_scoped3A : memref<!tpu.dma_semaphore, #tpu.memory_space<semaphore_mem>>) src(%arg7 : memref<512xf32, #tpu.memory_space<vmem>>) dst(%dma_wait3A_13 : memref<512xf32, #tpu.memory_space<hbm>>)
      tpu.yield
    }) : () -> ()
    %mul3A_10 = arith.constant 2 : i32
    %mul3A_11 = arith.muli %mul3A_2, %mul3A_10 : i32
    "tpu.region"() ({
      %run_scoped3A = tpu.sem_alloc : memref<!tpu.dma_semaphore, #tpu.memory_space<semaphore_mem>>
      %dma_start3A = tpu.memref_slice %arg4[%mul3A_11] : memref<16384xi32, #tpu.memory_space<hbm>> -> memref<512xi32, #tpu.memory_space<hbm>>
      %dma_start3A_12 = tpu.memref_slice %arg4[%mul3A_11] : memref<16384xi32, #tpu.memory_space<hbm>> -> memref<512xi32, #tpu.memory_space<hbm>>
      tpu.enqueue_dma source(%arg8 : memref<512xi32, #tpu.memory_space<vmem>>) target(%dma_start3A_12 : memref<512xi32, #tpu.memory_space<hbm>>) target_semaphore(%run_scoped3A : memref<!tpu.dma_semaphore, #tpu.memory_space<semaphore_mem>>)
      %dma_wait3A = tpu.memref_slice %arg4[%mul3A_11] : memref<16384xi32, #tpu.memory_space<hbm>> -> memref<512xi32, #tpu.memory_space<hbm>>
      %dma_wait3A_13 = tpu.memref_slice %arg4[%mul3A_11] : memref<16384xi32, #tpu.memory_space<hbm>> -> memref<512xi32, #tpu.memory_space<hbm>>
      tpu.wait_dma2 semaphore(%run_scoped3A : memref<!tpu.dma_semaphore, #tpu.memory_space<semaphore_mem>>) src(%arg8 : memref<512xi32, #tpu.memory_space<vmem>>) dst(%dma_wait3A_13 : memref<512xi32, #tpu.memory_space<hbm>>)
      tpu.yield
    }) : () -> ()
    "tpu.region"() ({
      %run_scoped3A = tpu.sem_alloc : memref<!tpu.dma_semaphore, #tpu.memory_space<semaphore_mem>>
      %dma_start3A = arith.constant 0 : i32
      %dma_start3A_12 = tpu.memref_slice %arg5[%mul3A_2, %dma_start3A] : memref<8192x16xf32, #tpu.memory_space<hbm>> -> memref<256x16xf32, #tpu.memory_space<hbm>>
      %dma_start3A_13 = arith.constant 0 : i32
      %dma_start3A_14 = tpu.memref_slice %arg5[%mul3A_2, %dma_start3A_13] : memref<8192x16xf32, #tpu.memory_space<hbm>> -> memref<256x16xf32, #tpu.memory_space<hbm>>
      tpu.enqueue_dma source(%arg9 : memref<256x16xf32, #tpu.memory_space<vmem>>) target(%dma_start3A_14 : memref<256x16xf32, #tpu.memory_space<hbm>>) target_semaphore(%run_scoped3A : memref<!tpu.dma_semaphore, #tpu.memory_space<semaphore_mem>>)
      %dma_wait3A = arith.constant 0 : i32
      %dma_wait3A_15 = tpu.memref_slice %arg5[%mul3A_2, %dma_wait3A] : memref<8192x16xf32, #tpu.memory_space<hbm>> -> memref<256x16xf32, #tpu.memory_space<hbm>>
      %dma_wait3A_16 = arith.constant 0 : i32
      %dma_wait3A_17 = tpu.memref_slice %arg5[%mul3A_2, %dma_wait3A_16] : memref<8192x16xf32, #tpu.memory_space<hbm>> -> memref<256x16xf32, #tpu.memory_space<hbm>>
      tpu.wait_dma2 semaphore(%run_scoped3A : memref<!tpu.dma_semaphore, #tpu.memory_space<semaphore_mem>>) src(%arg9 : memref<256x16xf32, #tpu.memory_space<vmem>>) dst(%dma_wait3A_17 : memref<256x16xf32, #tpu.memory_space<hbm>>)
      tpu.yield
    }) : () -> ()
    return
  }
}

module attributes {stable_mosaic.version = 14 : i64} {
  func.func @_mm_block(%arg0: i32, %arg1: memref<1024x2048xf32, #tpu.memory_space<vmem>>, %arg2: memref<2048x16xf32, #tpu.memory_space<vmem>>, %arg3: memref<1x16xf32, #tpu.memory_space<vmem>>, %arg4: memref<1024x16xf32, #tpu.memory_space<vmem>>) attributes {dimension_semantics = [#tpu.dimension_semantics<arbitrary>], iteration_bounds = array<i64: 8>, scalar_prefetch = 0 : i64, scratch_operands = 0 : i64, tpu.core_type = #tpu.core_type<tc>, window_params = [{transform_indices = @transform_0, window_bounds = array<i64: 1024, 2048>}, {pipeline_mode = #tpu.pipeline_mode<synchronous>, transform_indices = @transform_1, window_bounds = array<i64: 2048, 16>}, {pipeline_mode = #tpu.pipeline_mode<synchronous>, transform_indices = @transform_2, window_bounds = array<i64: 1, 16>}, {transform_indices = @transform_3, window_bounds = array<i64: 1024, 16>}]} {
    %get3A = arith.constant 0 : index
    %get3A_0 = arith.constant 0 : index
    %get3A_1 = vector.load %arg1[%get3A, %get3A_0] : memref<1024x2048xf32, #tpu.memory_space<vmem>>, vector<1024x2048xf32>
    %get3A_2 = arith.constant 0 : index
    %get3A_3 = arith.constant 0 : index
    %get3A_4 = vector.load %arg2[%get3A_2, %get3A_3] : memref<2048x16xf32, #tpu.memory_space<vmem>>, vector<2048x16xf32>
    %dot_general3A = arith.constant dense<0.000000e+00> : vector<1024x16xf32>
    %dot_general3A_5 = tpu.matmul %get3A_1, %get3A_4, %dot_general3A {dimension_numbers = #tpu.dot_dimension_numbers<[1], [0], [0], [1], [0, 0, 1, 1], [], []>, transpose_lhs_hint = false} : vector<1024x2048xf32>, vector<2048x16xf32>, vector<1024x16xf32> -> vector<1024x16xf32>
    %get3A_6 = arith.constant 0 : index
    %get3A_7 = arith.constant 0 : index
    %get3A_8 = vector.load %arg3[%get3A_6, %get3A_7] : memref<1x16xf32, #tpu.memory_space<vmem>>, vector<1x16xf32>
    %add3A = vector.broadcast %get3A_8 : vector<1x16xf32> to vector<1024x16xf32>
    %add3A_9 = arith.addf %dot_general3A_5, %add3A : vector<1024x16xf32>
    %swap3A = arith.constant 0 : index
    %swap3A_10 = arith.constant 0 : index
    %swap3A_11 = vector.load %arg4[%swap3A, %swap3A_10] : memref<1024x16xf32, #tpu.memory_space<vmem>>, vector<1024x16xf32>
    tpu.vector_store %arg4[%swap3A, %swap3A_10], %add3A_9 {strides = array<i32>} : memref<1024x16xf32, #tpu.memory_space<vmem>>, vector<1024x16xf32>,
    return
  }
  func.func @transform_0(%arg0: i32) -> (i32, i32) {
    %c0_i32 = arith.constant 0 : i32
    %c0_i32_0 = arith.constant 0 : i32
    return %arg0, %c0_i32 : i32, i32
  }
  func.func @transform_1(%arg0: i32) -> (i32, i32) {
    %c0_i32 = arith.constant 0 : i32
    %c0_i32_0 = arith.constant 0 : i32
    %c0_i32_1 = arith.constant 0 : i32
    return %c0_i32, %c0_i32_0 : i32, i32
  }
  func.func @transform_2(%arg0: i32) -> (i32, i32) {
    %c0_i32 = arith.constant 0 : i32
    %c0_i32_0 = arith.constant 0 : i32
    %c0_i32_1 = arith.constant 0 : i32
    return %c0_i32, %c0_i32_0 : i32, i32
  }
  func.func @transform_3(%arg0: i32) -> (i32, i32) {
    %c0_i32 = arith.constant 0 : i32
    %c0_i32_0 = arith.constant 0 : i32
    return %arg0, %c0_i32 : i32, i32
  }
}

</mosaic_0001>

<sc_bundles>
// kernel: kernel.4.cloned.1.call-start
scs
__scs_entry_jumppad:
0x0: {  	(pc) =	sbr.rel $0x88, $3  }
0x1: {  	(tag) =	ssettag $0x0;
	lr =	simm.s32 $0x1  }
0x2: {  	[smem:$0x3F9E] =	sst lr;
	_ =	strace $0xD0000000  }
0x3: {  	_ = 	snop  }
0x4: {  	_ = 	snop  }
0x5: {  	_ = 	snop  }
0x6: {  	_ = 	snop  }
0x7: {  	_ = 	snop  }
__scs_overlays_trampoline_lowered:
0x8: {  	[smem:$0x3FAD] =	sst s0  }
0x9: {  	[smem:$0x3FAE] =	sst s1  }
0xa: {  	[smem:$0x3FAF] =	sst s2  }
0xb: {  	[smem:$0x3FB0] =	sst s3  }
0xc: {  	[smem:$0x3FB1] =	sst s4  }
0xd: {  	[smem:$0x3FB2] =	sst s5  }
0xe: {  	[smem:$0x3FB3] =	sst s6  }
0xf: {  	[smem:$0x3FB4] =	sst s7  }
0x10: {  	[smem:$0x3FB5] =	sst s8  }
0x11: {  	[smem:$0x3FB6] =	sst s9;
	s0 =	simm.s32 @!p0 $0x0  }
0x12: {  	s1 =	sld [smem:$0x3F9C];
	s0 =	simm.s32 @p0 $0x1  }
0x13: {  	[smem:$0x3FB7] =	sst s0;
	s0 =	simm.s32 @!p1 $0x0  }
0x14: {  	s2 =	sld [smem:$0x3F9B];
	s0 =	simm.s32 @p1 $0x1  }
0x15: {  	[smem:$0x3FB8] =	sst s0;
	s0 =	simm.s32 @!p2 $0x0  }
0x16: {  	s3 =	sld [smem:$0x3FDB];
	s0 =	simm.s32 @p2 $0x1  }
0x17: {  	s4 =	simm.s32 $0x1BF5;
	[smem:$0x3FBA] =	sst s0  }
0x18: {  	s0 =	sld [smem:$0x3F9D];
	_ =	swait.ge [sflag:s4], $0x0  }
0x19: {  	s7 =	sld [smem:$0x3F9E]  }
0x1a: {  	s8 =	sadd.s32 $0xFFFFE003, lr  }
0x1b: {  	s9 =	sadd.s32 $0xFFFFFEF7, lr;
	s5 =	simm.s32 $0xFFFFFFFF;
	p2 =	slt.u32 s8, $0xFFFFF086  }
0x1c: {  	p1 =	slt.u32 s9, $0xF7A;
	s5 =	simm.s32 @!p2 $0x0  }
0x1d: {  	s5 =	simm.s32 @p1 $0x1;
	p0 =	seq.s32 s7, s2  }
0x1e: {  	s7 =	smul.u32 @!p0 $0xF7A, s2;
	p2 =	seq.s32 @!p0 s5, $0x0  }
0x1f: {  	s9 =	smul.u32 $0xF7A, s1;
	s8 =	simm.s32 @!p0 $0x1BF5;
	p2 =	por !p2, p0  }
0x20: {  	[sflag:s8] =	ssyncset.s32 @!p0 $0xFFFFF086;
	s6 =	sadd.s32 @!p0 s3, s7;
	s7 =	simm.s32 @!p0 $0x108  }
0x21: {  	s3 =	sadd.s32 s3, s9;
	s6 =	sadd.s32 @!p0 $0x88, s6;
	s7 =	simm.s32 @p2 $0x1082  }
0x22: {  	[simem:s7], [sflag:s8] =	dma.local @!p0 [hbm:s6], $0xF7A  }
0x23: {  	s9 =	sor.u32 $0xD0000000, s2;
	s6 =	simm.s32 $0x108;
	_ =	swait.ge @!p0 [sflag:s8], $0x0  }
0x24: {  	s3 =	sadd.s32 $0x88, s3;
	s6 =	simm.s32 @!p1 $0x1082;
	[sflag:s4] =	ssyncset.s32 $0xFFFFF086  }
0x25: {  	[simem:s6], [sflag:s4] =	dma.local [hbm:s3], $0xF7A  }
0x26: {  	[smem:$0x3F9E] =	sst s1;
	(tag) =	ssettag s2;
	_ =	strace s9  }
0x27: {  	s1 =	sld [smem:$0x3FAE]  }
0x28: {  	s2 =	sld [smem:$0x3FAF]  }
0x29: {  	s4 =	sld [smem:$0x3FB1]  }
0x2a: {  	p0 =	seq.s32 s5, $0x0;
	s5 =	sld [smem:$0x3FB2]  }
0x2b: {  	s6 =	sld [smem:$0x3FB3]  }
0x2c: {  	s7 =	sld [smem:$0x3FB4]  }
0x2d: {  	s3 =	simm.s32 $0x108;
	s8 =	sld [smem:$0x3FB5]  }
0x2e: {  	s3 =	simm.s32 @!p0 $0x1082;
	s9 =	sld [smem:$0x3FB6]  }
0x2f: {  	lr =	sadd.s32 s0, s3;
	s0 =	sld [smem:$0x3FAD]  }
0x30: {  	s3 =	sld [smem:$0x3FB0]  }
0x31: {  	[smem:$0x3FB9] =	sst s10  }
0x32: {  	s10 =	sld [smem:$0x3FB7];
	_ =	sdelay $0x3  }
0x33: {  	p0 =	seq.s32 s10, $0x1;
	s10 =	sld [smem:$0x3FB9];
	_ =	sdelay $0x3  }
0x34: {  	[smem:$0x3FB9] =	sst s10  }
0x35: {  	s10 =	sld [smem:$0x3FB8];
	_ =	sdelay $0x3  }
0x36: {  	p1 =	seq.s32 s10, $0x1;
	s10 =	sld [smem:$0x3FB9];
	_ =	sdelay $0x3  }
0x37: {  	[smem:$0x3FB9] =	sst s10  }
0x38: {  	s10 =	sld [smem:$0x3FBA]  }
0x39: {  	_ = 	snop;
	(pc) =	sbr.ind lr, $3  }
0x3a: {  	_ = 	snop  }
0x3b: {  	_ = 	snop  }
0x3c: {  	p2 =	seq.s32 s10, $0x1;
	s10 =	sld [smem:$0x3FB9]  }
0x3d: {  	_ =	shalt  }
0x3e: {  	_ =	shalt  }
0x3f: {  	_ =	shalt  }
0x40: {  	_ =	shalt  }
0x41: {  	_ =	shalt  }
0x42: {  	_ =	shalt  }
0x43: {  	_ =	shalt  }
0x44: {  	_ =	shalt  }
0x45: {  	_ =	shalt  }
0x46: {  	_ =	shalt  }
0x47: {  	_ =	shalt  }
0x48: {  	_ =	shalt  }
0x49: {  	_ =	shalt  }
0x4a: {  	_ =	shalt  }
0x4b: {  	_ =	shalt  }
0x4c: {  	_ =	shalt  }
0x4d: {  	_ =	shalt  }
0x4e: {  	_ =	shalt  }
0x4f: {  	_ =	shalt  }
0x50: {  	_ =	shalt  }
0x51: {  	_ =	shalt  }
0x52: {  	_ =	shalt  }
0x53: {  	_ =	shalt  }
0x54: {  	_ =	shalt  }
0x55: {  	_ =	shalt  }
0x56: {  	_ =	shalt  }
0x57: {  	_ =	shalt  }
0x58: {  	_ =	shalt  }
0x59: {  	_ =	shalt  }
0x5a: {  	_ =	shalt  }
0x5b: {  	_ =	shalt  }
0x5c: {  	_ =	shalt  }
0x5d: {  	_ =	shalt  }
0x5e: {  	_ =	shalt  }
0x5f: {  	_ =	shalt  }
0x60: {  	_ =	shalt  }
0x61: {  	_ =	shalt  }
0x62: {  	_ =	shalt  }
0x63: {  	_ =	shalt  }
0x64: {  	_ =	shalt  }
0x65: {  	_ =	shalt  }
0x66: {  	_ =	shalt  }
0x67: {  	_ =	shalt  }
0x68: {  	_ =	shalt  }
0x69: {  	_ =	shalt  }
0x6a: {  	_ =	shalt  }
0x6b: {  	_ =	shalt  }
0x6c: {  	_ =	shalt  }
0x6d: {  	_ =	shalt  }
0x6e: {  	_ =	shalt  }
0x6f: {  	_ =	shalt  }
0x70: {  	_ =	shalt  }
0x71: {  	_ =	shalt  }
0x72: {  	_ =	shalt  }
0x73: {  	_ =	shalt  }
0x74: {  	_ =	shalt  }
0x75: {  	_ =	shalt  }
0x76: {  	_ =	shalt  }
0x77: {  	_ =	shalt  }
0x78: {  	_ =	shalt  }
0x79: {  	_ =	shalt  }
0x7a: {  	_ =	shalt  }
0x7b: {  	_ =	shalt  }
0x7c: {  	_ =	shalt  }
0x7d: {  	_ =	shalt  }
0x7e: {  	_ =	shalt  }
0x7f: {  	_ =	shalt  }
0x80: {  	_ =	shalt  }
0x81: {  	_ =	shalt  }
0x82: {  	_ =	shalt  }
0x83: {  	_ =	shalt  }
0x84: {  	_ =	shalt  }
0x85: {  	_ =	shalt  }
0x86: {  	_ =	shalt  }
0x87: {  	_ =	shalt  }
.Lfunc_end0:
.L_simem_size_0:
called_computation_lowered:
.L_overlay_start_0:
0x88: {  	s2 =	sld [smem:$0x3FD9]  }
0x89: {  	s3 =	sld [smem:$0x3FFE];
	_ =	sdelay $0x1  }
0x8a: {  	s1 =	srdreg.scid  }
0x8b: {  	s0 =	sand.u32 $0x1, s1  }
0x8c: {  	s14 =	sshll.u32 s0, $0xA;
	s2 =	sadd.s32 s3, s2  }
0x8d: {  	s2 =	sadd.s32 s2, s14  }
0x8e: {  	[smem:$0x3FC5] =	sst s2  }
0x8f: {  	_ = 	snop  }
0x90: {  	s2 =	sld [smem:$0x3FD0];
	_ =	sdelay $0x2  }
0x91: {  	s15 =	simm.s32 $0xA;
	s4 =	simm.s32 $0x10  }
0x92: {  	[smem:s4], [sflag:s15] =	dma.local [hbm:s2], $0x1  }
0x93: {  	_ =	swait.eq [sflag:s15], $0x1  }
0x94: {  	[sflag:s15] =	ssyncset.done $0x0  }
0x95: {  	[sflag:s15] =	ssyncadd.s32 $0xFFFFFFFF  }
0x96: {  	s16 =	sld [smem:$0x11];
	(tm) =	ssettm $0x1  }
0x97: {  	s17 =	sld [smem:$0x3FFB];
	_ =	sdelay $0x3  }
0x98: {  	_ =	strace s17  }
0x99: {  	s3 =	sld [smem:$0x3FFC];
	_ =	sdelay $0x3  }
0x9a: {  	_ =	strace s3  }
0x9b: {  	s3 =	sld [smem:$0x3FFD];
	_ =	sdelay $0x3  }
0x9c: {  	_ =	strace s3  }
0x9d: {  	_ =	strace $0x8FFFFFFF  }
0x9e: {  	s18 =	sld [smem:$0x3FDB];
	_ =	sdelay $0x1  }
0x9f: {  	s19 =	simm.s32 $_scs_section_size  }
0xa0: {  	s5 =	simm.s32 $_size__tile_overlayer_lowered;
	s6 =	simm.s32 $_tile_overlayer_lowered  }
0xa1: {  	s22 =	simm.s32 $0x1BFF;
	s21 =	sshll.u32 s6, $0x1;
	s3 =	sadd.s32 s19, s18  }
0xa2: {  	s7 =	simm.s32 $0x0;
	s20 =	sshll.u32 s5, $0x1;
	s5 =	sadd.s32 s21, s3  }
0xa3: {  	[timem:s7], [sflag:s22] =	dma.local [hbm:s5], s20  }
0xa4: {  	_ =	swait.ge [sflag:s22], s20  }
0xa5: {  	s4 =	ssub.s32 $0x0, s20;
	[sflag:s22] =	ssyncset.done $0x0  }
0xa6: {  	[sflag:s22] =	ssyncadd.s32 s4;
	_ =	sdelay $0x1  }
0xa7: {  	s23 =	simm.s32 $0x1B8B  }
0xa8: {  	_ =	swait.ge [sflag:s23], $0x1  }
0xa9: {  	[sflag:s23] =	ssyncset.done $0x0  }
0xaa: {  	s25 =	simm.s32 $0x1B8E;
	s24 =	sld [smem:$0x3FFE];
	[sflag:s23] =	ssyncadd.s32 $0xFFFFFFFF  }
0xab: {  	s26 =	simm.s32 $execute0_lowered;
	[smem:$0x3FD2] =	sst s25  }
0xac: {  	s5 =	sshll.u32 s26, $0x1;
	_ =	strace $0x80000046;
	[dreg:$0x1] =	wrdreg $0xFFFFFFFF  }
0xad: {  	s28 =	simm.s32 $_size_execute0_lowered;
	s3 =	sadd.s32 s3, s5;
	[dreg:$0x0] =	wrdreg $0x0  }
0xae: {  	s5 =	sshll.u32 s28, $0x1;
	[dreg:$0x2] =	wrdreg s3  }
0xaf: {  	[dreg:$0x3] =	wrdreg s5  }
0xb0: {  	[dreg:$0x4] =	wrdreg $0xC0  }
0xb1: {  	_ =	task [dreg:s7], $0x5FFFF  }
0xb2: {  	[dreg:$0x1] =	wrdreg $0xFFFFFFFF  }
0xb3: {  	[dreg:$0x0] =	wrdreg $0x60  }
0xb4: {  	[dreg:$0x2] =	wrdreg s24  }
0xb5: {  	[dreg:$0x3] =	wrdreg s16  }
0xb6: {  	[dreg:$0x4] =	wrdreg $0x9  }
0xb7: {  	_ =	task.clear_ibuf [dreg:s7], $0x5FFFF;
	_ =	strace $0x90000046  }
0xb8: {  	s29 =	simm.s32 $0x9;
	_ =	strace $0x80000048  }
0xb9: {  	_ =	swait.ge [sflag:s29], $0x1  }
0xba: {  	[sflag:s29] =	ssyncadd.s32 $0xFFFFFFFF  }
0xbb: {  	_ =	strace $0x90000048  }
0xbc: {  	_ =	sfence  }
0xbd: {  	s30 =	sld [smem:$0x0];
	_ =	sdelay $0x2  }
0xbe: {  	s31 =	sshll.u32 s1, $0xD;
	s1 =	sshrl.u32 s1, $0x2  }
0xbf: {  	s3 =	sand.u32 $0x4000, s31;
	s1 =	sadd.s32 s1, s30  }
0xc0: {  	s0 =	sor.u32 s3, s0;
	s1 =	sshll.u32 s1, $0x11  }
0xc1: {  	s0 =	sor.u32 s1, s0  }
0xc2: {  	s0 =	sadd.s32 $0x8F2B, s0  }
0xc3: {  	[sflag:s0] =	ssyncadd.remote.s32 $0x1  }
0xc4: {  	_ =	sfence.sel $0xFFFF  }
0xc5: {  	[dreg:$0x0] =	wrdreg $0xFFFFFFFF;
	(pc) =	sbr.abs _section_cstart, $3  }
0xc6: {  	[dreg:$0x1] =	wrdreg $0xFFFFFFFF  }
0xc7: {  	_ =	task.clear_ibuf [dreg:s7], $0x2FFFF;
	_ =	strace $0x9FFFFFFF  }
0xc8: {  	(tm) =	ssettm $0x7FFFFFFF  }
0xc9: {  	_ =	shalt  }
tec
execute0_lowered:
.L_overlay_start_1:
0x0: {  	(tag) =	ssettag $0x1  }
0x1: {  	vm0 =	vmmov $0x1;
	v1 =	vimm.s32 $0x0  }
0x2: {  	v1 =	vsel vm0, $0xFFFFFFFF, v1  }
0x3: {  	vm0 =	vmmov $0x3;
	[tilespmem:$0x1FF50] =	vst v1;
	v1 =	vimm.s32 $0x0  }
0x4: {  	vm2 =	vcmask $0xF0C;
	vm3 =	vcmask $0x700;
	v1 =	vsel vm0, $0xFFFFFFFF, v1  }
0x5: {  	vm0 =	vmor vm3, vm2;
	[tilespmem:$0x1FF60] =	vst v1;
	v1 =	vimm.s32 $0x0  }
0x6: {  	v1 =	vsel vm0, $0xFFFFFFFF, v1  }
0x7: {  	vm0 =	vmmov $0xf;
	[tilespmem:$0x1FF70] =	vst v1;
	v1 =	vimm.s32 $0x0  }
0x8: {  	vm4 =	vcmask $0x1714;
	vm5 =	vcmask $0xF00;
	v1 =	vsel vm0, $0xFFFFFFFF, v1  }
0x9: {  	vm0 =	vmor vm5, vm4;
	[tilespmem:$0x1FF80] =	vst v1;
	v1 =	vimm.s32 $0x0  }
0xa: {  	s3 =	rddreg [dreg:$0x0];
	v1 =	vsel vm0, $0xFFFFFFFF, v1  }
0xb: {  	s4 =	rddreg [dreg:$0x1];
	s2 =	simm.s32 $0x0;
	vm0 =	vmmov $0x3f;
	[tilespmem:$0x1FF90] =	vst v1;
	v1 =	vimm.s32 $0x0  }
0xc: {  	vm6 =	vcmask $0x1F1C;
	vm7 =	vcmask $0x1700;
	[smem:$0x7FF] =	sst s2;
	v1 =	vsel vm0, $0xFFFFFFFF, v1  }
0xd: {  	s0 =	rddreg [dreg:$0x2];
	_ =	strace $0x80000047;
	vm0 =	vmor vm7, vm6;
	[tilespmem:$0x1FFA0] =	vst v1;
	v1 =	vimm.s32 $0x0  }
0xe: {  	v1 =	vsel vm0, $0xFFFFFFFF, v1  }
0xf: {  	vm0 =	vmmov $0xff;
	[tilespmem:$0x1FFB0] =	vst v1;
	v1 =	vimm.s32 $0x0  }
0x10: {  	s5 =	srdreg.scid;
	s1 =	stileid.u32;
	vm8 =	vcmask $0x2724;
	vm9 =	vcmask $0x1F00;
	v1 =	vsel vm0, $0xFFFFFFFF, v1  }
0x11: {  	s5 =	sand.u32 $0x1, s5;
	s6 =	sshll.u32 s1, $0x1;
	vm0 =	vmor vm9, vm8;
	[tilespmem:$0x1FFC0] =	vst v1;
	v1 =	vimm.s32 $0x0  }
0x12: {  	s10 =	simm.s32 $0x8200;
	s11 =	simm.s32 $0x8400;
	s6 =	sor.u32 s5, s6;
	v1 =	vsel vm0, $0xFFFFFFFF, v1  }
0x13: {  	v0 =	vlaneseq.u32;
	s12 =	simm.s32 $0x0;
	s5 =	ssub.s32 $0x2, s5;
	s7 =	sshll.u32 s6, $0xC;
	vm0 =	vmmov $0x3ff;
	[tilespmem:$0x1FFD0] =	vst v1;
	v1 =	vimm.s32 $0x0  }
0x14: {  	vm10 =	vcmask $0x2F2C;
	vm11 =	vcmask $0x2700;
	s6 =	sshll.u32 s6, $0x6;
	s8 =	sshrl.u32 s5, $0x1;
	s7 =	sadd.s32 s7, s3;
	v1 =	vsel vm0, $0xFFFFFFFF, v1  }
0x15: {  	vm14 =	vmmov $0xfff;
	s9 =	sadd.s32 s6, s3;
	s8 =	ssub.s32 s5, s8;
	s4 =	sadd.s32 s4, s6;
	vm0 =	vmor vm11, vm10;
	[tilespmem:$0x1FFE0] =	vst v1;
	v1 =	vimm.s32 $0x0  }
0x16: {  	vm12 =	vcmask $0x3734;
	vm13 =	vcmask $0x2F00;
	s3 =	sadd.s32 $0x1000, s7;
	s5 =	sadd.s32 $0x41000, s9;
	s6 =	sadd.s32 $0x21000, s7;
	v1 =	vsel vm0, $0xFFFFFFFF, v1  }
0x17: {  	vm1 =	vmmov $0x3fff;
	vm13 =	vmor vm13, vm12;
	s7 =	smax.u32 s8, $0x1;
	s8 =	simm.s32 $0x1;
	s9 =	simm.s32 $0x8000;
	vm0 =	vcmask $0x373C;
	[tilespmem:$0x1FFF0] =	vst v1  }
.LBB2_1:
0x18: {  	[tilespmem:s2], [sflag:$0x1] =	stream.linear.gather [hbm4b:s3+s2], $0x8000, $0x38;
	[tilespmem:$0x10400] =	vst v63  }
0x19: {  	_ =	swait.ge [sflag:s8], $0x8000  }
0x1a: {  	v1 =	vld [tilespmem:$0x1FF60];
	_ =	sdelay $0x4  }
0x1b: {  	vm2 =	vnez.u8 v1;
	v1 =	vld [tilespmem:$0x1FF70];
	_ =	sdelay $0x4  }
0x1c: {  	vm3 =	vnez.u8 v1;
	v1 =	vld [tilespmem:$0x1FF80];
	_ =	sdelay $0x4  }
0x1d: {  	vm4 =	vnez.u8 v1;
	v1 =	vld [tilespmem:$0x1FF90];
	_ =	sdelay $0x4  }
0x1e: {  	vm5 =	vnez.u8 v1;
	v1 =	vld [tilespmem:$0x1FFA0];
	_ =	sdelay $0x4  }
0x1f: {  	vm6 =	vnez.u8 v1;
	v1 =	vld [tilespmem:$0x1FFB0];
	_ =	sdelay $0x4  }
0x20: {  	vm7 =	vnez.u8 v1;
	v1 =	vld [tilespmem:$0x1FFC0];
	_ =	sdelay $0x4  }
0x21: {  	vm8 =	vnez.u8 v1;
	v1 =	vld [tilespmem:$0x1FFD0];
	_ =	sdelay $0x4  }
0x22: {  	vm9 =	vnez.u8 v1;
	v1 =	vld [tilespmem:$0x1FFE0];
	_ =	sdelay $0x4  }
0x23: {  	vm10 =	vnez.u8 v1;
	v1 =	vld [tilespmem:$0x1FFF0];
	_ =	sdelay $0x3  }
0x24: {  	s13 =	simm.s32 $0x200;
	[sflag:s8] =	ssyncset.done $0x0  }
0x25: {  	s14 =	simm.s32 $0x8600;
	s15 =	simm.s32 $0x0;
	[sflag:s8] =	ssyncadd.s32 $0xFFFF8000;
	vm11 =	vnez.u8 v1  }
.LBB2_2:
0x26: {  	v2 =	vld [tilespmem:s13+$0xFFFFFE00];
	_ =	sdelay $0x4  }
0x27: {  	(xrf0) =	vmax.scan.msk.f32 $0xffff, v2;
	_ =	sdelay $0x5  }
0x28: {  	v1, _, _ =	vpop (xrf0)  }
0x29: {  	v3 =	vbroadcast v1, $0xF  }
0x2a: {  	(v2sf) =	vpush v1, $0xF  }
0x2b: {  	vm15 =	veq.f32 v2, v3  }
0x2c: {  	v1 =	vmctz.xlane vm15;
	_ =	sdelay $0x1  }
0x2d: {  	vm15 =	veq.s32 v1, v0  }
0x2e: {  	v2 =	vsel vm15, $0xFF61B1E6, v2  }
0x2f: {  	(xrf0) =	vmax.scan.msk.f32 $0xffff, v2;
	_ =	sdelay $0x5  }
0x30: {  	v3, _, _ =	vpop (xrf0)  }
0x31: {  	(v2sf) =	vpush v3, $0xF;
	_ =	sdelay $0x1  }
0x32: {  	s16 =	spop (v2sf)  }
0x33: {  	s16 =	ssub.f32 $0.0e+00, s16;
	_ =	sdelay $0x1  }
0x34: {  	v4 =	vmov s16  }
0x35: {  	v4 =	vmul.f32 $1.442695020e+00, v4;
	_ =	sdelay $0x1  }
0x36: {  	v4 =	vbroadcast v4, $0x0;
	_ =	sdelay $0x1  }
0x37: {  	(erf) = vpow2.f32 v4;
	_ =	sdelay $0x4  }
0x38: {  	s30 =	spop (v2sf)  }
0x39: {  	s16 =	ssub.f32 $0.0e+00, s30;
	_ =	sdelay $0x1  }
0x3a: {  	v40 =	vmov s16  }
0x3b: {  	v5 =	vpop (erf);
	v4 =	vmul.f32 $1.442695020e+00, v40  }
0x3c: {  	v5 =	vadd.f32 $1.000000000e+00, v5  }
0x3d: {  	v4 =	vbroadcast v4, $0x0  }
0x3e: {  	(erf) = vrcp.f32 v5  }
0x3f: {  	(erf) = vpow2.f32 v4;
	_ =	sdelay $0x7  }
0x40: {  	v41 =	vpop (erf)  }
0x41: {  	v42 =	vpop (erf)  }
0x42: {  	v5 =	vadd.f32 $1.000000000e+00, v42;
	_ =	sdelay $0x1  }
0x43: {  	(erf) = vrcp.f32 v5;
	_ =	sdelay $0x8  }
0x44: {  	v5 =	vpop (erf)  }
0x45: {  	v6 =	vadd.f32 v5, v41;
	_ =	sdelay $0x1  }
0x46: {  	(erf) = vrcp.f32 v6;
	_ =	sdelay $0x5  }
0x47: {  	v3 =	vbroadcast v3, $0xF;
	_ =	sdelay $0x1  }
0x48: {  	vm12 =	vmmov vm14;
	vm14 =	veq.f32 v2, v3  }
0x49: {  	v2 =	vmctz.xlane vm14;
	v6 =	vpop (erf)  }
0x4a: {  	v3 =	vmul.f32 v6, v5  }
0x4b: {  	vm14 =	veq.s32 v2, v0;
	v4 =	vmul.f32 v6, v41  }
0x4c: {  	v5 =	vnsel vm14, $0x0, v3  }
0x4d: {  	v5 =	vsel vm15, v4, v5  }
0x4e: {  	[tilespmem:s14+$0xFFFFFE00] =	vst v5  }
0x4f: {  	v43 =	vld [tilespmem:s13+$0xFFFFFE80];
	_ =	sdelay $0x4  }
0x50: {  	(xrf0) =	vmax.scan.msk.f32 $0xffff, v43;
	_ =	sdelay $0x5  }
0x51: {  	v44, _, _ =	vpop (xrf0)  }
0x52: {  	v7 =	vbroadcast v44, $0xF  }
0x53: {  	(v2sf) =	vpush v44, $0xF  }
0x54: {  	vm14 =	veq.f32 v43, v7  }
0x55: {  	v5 =	vmctz.xlane vm14;
	_ =	sdelay $0x1  }
0x56: {  	vm15 =	veq.s32 v5, v0  }
0x57: {  	v6 =	vsel vm15, $0xFF61B1E6, v43  }
0x58: {  	(xrf0) =	vmax.scan.msk.f32 $0xffff, v6;
	_ =	sdelay $0x5  }
0x59: {  	v45, _, _ =	vpop (xrf0)  }
0x5a: {  	(v2sf) =	vpush v45, $0xF;
	_ =	sdelay $0x1  }
0x5b: {  	s31 =	spop (v2sf)  }
0x5c: {  	s16 =	ssub.f32 $0.0e+00, s31;
	_ =	sdelay $0x1  }
0x5d: {  	v8 =	vmov s16  }
0x5e: {  	v8 =	vmul.f32 $1.442695020e+00, v8;
	_ =	sdelay $0x1  }
0x5f: {  	v8 =	vbroadcast v8, $0x0;
	_ =	sdelay $0x1  }
0x60: {  	(erf) = vpow2.f32 v8;
	_ =	sdelay $0x4  }
0x61: {  	s17 =	spop (v2sf)  }
0x62: {  	s16 =	ssub.f32 $0.0e+00, s17;
	_ =	sdelay $0x1  }
0x63: {  	v46 =	vmov s16  }
0x64: {  	v9 =	vpop (erf);
	v8 =	vmul.f32 $1.442695020e+00, v46  }
0x65: {  	v9 =	vadd.f32 $1.000000000e+00, v9  }
0x66: {  	v8 =	vbroadcast v8, $0x0  }
0x67: {  	(erf) = vrcp.f32 v9  }
0x68: {  	(erf) = vpow2.f32 v8;
	_ =	sdelay $0x7  }
0x69: {  	v9 =	vpop (erf)  }
0x6a: {  	v8 =	vpop (erf)  }
0x6b: {  	v8 =	vadd.f32 $1.000000000e+00, v8;
	_ =	sdelay $0x1  }
0x6c: {  	(erf) = vrcp.f32 v8;
	_ =	sdelay $0x8  }
0x6d: {  	v8 =	vpop (erf)  }
0x6e: {  	v10 =	vadd.f32 v8, v9;
	_ =	sdelay $0x1  }
0x6f: {  	(erf) = vrcp.f32 v10;
	_ =	sdelay $0x5  }
0x70: {  	v7 =	vbroadcast v45, $0xF;
	_ =	sdelay $0x1  }
0x71: {  	vm14 =	veq.f32 v6, v7  }
0x72: {  	v6 =	vmctz.xlane vm14;
	v47 =	vpop (erf)  }
0x73: {  	v8 =	vmul.f32 v47, v8  }
0x74: {  	vm14 =	veq.s32 v6, v0;
	v7 =	vmul.f32 v47, v9  }
0x75: {  	v48 =	vnsel vm14, $0x0, v8  }
0x76: {  	v9 =	vsel vm15, v7, v48  }
0x77: {  	[tilespmem:s14+$0xFFFFFE80] =	vst v9  }
0x78: {  	v49 =	vld [tilespmem:s13+$0xFFFFFF00];
	_ =	sdelay $0x4  }
0x79: {  	(xrf0) =	vmax.scan.msk.f32 $0xffff, v49;
	_ =	sdelay $0x5  }
0x7a: {  	v50, _, _ =	vpop (xrf0)  }
0x7b: {  	v11 =	vbroadcast v50, $0xF  }
0x7c: {  	(v2sf) =	vpush v50, $0xF  }
0x7d: {  	vm14 =	veq.f32 v49, v11  }
0x7e: {  	v9 =	vmctz.xlane vm14;
	_ =	sdelay $0x1  }
0x7f: {  	vm15 =	veq.s32 v9, v0  }
0x80: {  	v10 =	vsel vm15, $0xFF61B1E6, v49  }
0x81: {  	(xrf0) =	vmax.scan.msk.f32 $0xffff, v10;
	_ =	sdelay $0x5  }
0x82: {  	v51, _, _ =	vpop (xrf0)  }
0x83: {  	(v2sf) =	vpush v51, $0xF;
	_ =	sdelay $0x1  }
0x84: {  	s18 =	spop (v2sf)  }
0x85: {  	s16 =	ssub.f32 $0.0e+00, s18;
	_ =	sdelay $0x1  }
0x86: {  	v12 =	vmov s16  }
0x87: {  	v12 =	vmul.f32 $1.442695020e+00, v12;
	_ =	sdelay $0x1  }
0x88: {  	v12 =	vbroadcast v12, $0x0;
	_ =	sdelay $0x1  }
0x89: {  	(erf) = vpow2.f32 v12;
	_ =	sdelay $0x4  }
0x8a: {  	s19 =	spop (v2sf)  }
0x8b: {  	s16 =	ssub.f32 $0.0e+00, s19;
	_ =	sdelay $0x1  }
0x8c: {  	v52 =	vmov s16  }
0x8d: {  	v13 =	vpop (erf);
	v12 =	vmul.f32 $1.442695020e+00, v52  }
0x8e: {  	v13 =	vadd.f32 $1.000000000e+00, v13  }
0x8f: {  	v12 =	vbroadcast v12, $0x0  }
0x90: {  	(erf) = vrcp.f32 v13  }
0x91: {  	(erf) = vpow2.f32 v12;
	_ =	sdelay $0x7  }
0x92: {  	v13 =	vpop (erf)  }
0x93: {  	v12 =	vpop (erf)  }
0x94: {  	v12 =	vadd.f32 $1.000000000e+00, v12;
	_ =	sdelay $0x1  }
0x95: {  	(erf) = vrcp.f32 v12;
	_ =	sdelay $0x8  }
0x96: {  	v12 =	vpop (erf)  }
0x97: {  	v14 =	vadd.f32 v12, v13;
	_ =	sdelay $0x1  }
0x98: {  	(erf) = vrcp.f32 v14;
	_ =	sdelay $0x5  }
0x99: {  	v11 =	vbroadcast v51, $0xF;
	_ =	sdelay $0x1  }
0x9a: {  	vm14 =	veq.f32 v10, v11  }
0x9b: {  	v10 =	vmctz.xlane vm14;
	v53 =	vpop (erf)  }
0x9c: {  	v12 =	vmul.f32 v53, v12  }
0x9d: {  	vm14 =	veq.s32 v10, v0;
	v11 =	vmul.f32 v53, v13  }
0x9e: {  	v54 =	vnsel vm14, $0x0, v12  }
0x9f: {  	v13 =	vsel vm15, v11, v54  }
0xa0: {  	[tilespmem:s14+$0xFFFFFF00] =	vst v13  }
0xa1: {  	v55 =	vld [tilespmem:s13+$0xFFFFFF80];
	_ =	sdelay $0x4  }
0xa2: {  	(xrf0) =	vmax.scan.msk.f32 $0xffff, v55;
	_ =	sdelay $0x5  }
0xa3: {  	v56, _, _ =	vpop (xrf0)  }
0xa4: {  	v15 =	vbroadcast v56, $0xF  }
0xa5: {  	(v2sf) =	vpush v56, $0xF  }
0xa6: {  	vm14 =	veq.f32 v55, v15  }
0xa7: {  	v13 =	vmctz.xlane vm14;
	_ =	sdelay $0x1  }
0xa8: {  	vm15 =	veq.s32 v13, v0  }
0xa9: {  	v14 =	vsel vm15, $0xFF61B1E6, v55  }
0xaa: {  	(xrf0) =	vmax.scan.msk.f32 $0xffff, v14;
	_ =	sdelay $0x5  }
0xab: {  	v57, _, _ =	vpop (xrf0)  }
0xac: {  	(v2sf) =	vpush v57, $0xF;
	_ =	sdelay $0x1  }
0xad: {  	s20 =	spop (v2sf)  }
0xae: {  	s16 =	ssub.f32 $0.0e+00, s20;
	_ =	sdelay $0x1  }
0xaf: {  	v16 =	vmov s16  }
0xb0: {  	v16 =	vmul.f32 $1.442695020e+00, v16;
	_ =	sdelay $0x1  }
0xb1: {  	v16 =	vbroadcast v16, $0x0;
	_ =	sdelay $0x1  }
0xb2: {  	(erf) = vpow2.f32 v16;
	_ =	sdelay $0x4  }
0xb3: {  	s21 =	spop (v2sf)  }
0xb4: {  	s16 =	ssub.f32 $0.0e+00, s21;
	_ =	sdelay $0x1  }
0xb5: {  	v58 =	vmov s16  }
0xb6: {  	v17 =	vpop (erf);
	v16 =	vmul.f32 $1.442695020e+00, v58  }
0xb7: {  	v17 =	vadd.f32 $1.000000000e+00, v17  }
0xb8: {  	v16 =	vbroadcast v16, $0x0  }
0xb9: {  	(erf) = vrcp.f32 v17  }
0xba: {  	(erf) = vpow2.f32 v16;
	_ =	sdelay $0x7  }
0xbb: {  	v17 =	vpop (erf)  }
0xbc: {  	v16 =	vpop (erf)  }
0xbd: {  	v16 =	vadd.f32 $1.000000000e+00, v16;
	_ =	sdelay $0x1  }
0xbe: {  	(erf) = vrcp.f32 v16;
	_ =	sdelay $0x8  }
0xbf: {  	v16 =	vpop (erf)  }
0xc0: {  	v18 =	vadd.f32 v16, v17;
	_ =	sdelay $0x1  }
0xc1: {  	(erf) = vrcp.f32 v18;
	_ =	sdelay $0x5  }
0xc2: {  	v15 =	vbroadcast v57, $0xF;
	_ =	sdelay $0x1  }
0xc3: {  	vm14 =	veq.f32 v14, v15  }
0xc4: {  	v14 =	vmctz.xlane vm14;
	v59 =	vpop (erf)  }
0xc5: {  	v16 =	vmul.f32 v59, v16  }
0xc6: {  	vm14 =	veq.s32 v14, v0;
	v15 =	vmul.f32 v59, v17  }
0xc7: {  	v60 =	vnsel vm14, $0x0, v16  }
0xc8: {  	v17 =	vsel vm15, v15, v60  }
0xc9: {  	[tilespmem:s14+$0xFFFFFF80] =	vst v17  }
0xca: {  	v61 =	vld [tilespmem:s13+$0x0];
	_ =	sdelay $0x4  }
0xcb: {  	(xrf0) =	vmax.scan.msk.f32 $0xffff, v61;
	_ =	sdelay $0x5  }
0xcc: {  	v62, _, _ =	vpop (xrf0)  }
0xcd: {  	v19 =	vbroadcast v62, $0xF  }
0xce: {  	(v2sf) =	vpush v62, $0xF  }
0xcf: {  	vm14 =	veq.f32 v61, v19  }
0xd0: {  	v63 =	vmctz.xlane vm14;
	_ =	sdelay $0x1  }
0xd1: {  	vm15 =	veq.s32 v63, v0  }
0xd2: {  	v18 =	vsel vm15, $0xFF61B1E6, v61  }
0xd3: {  	(xrf0) =	vmax.scan.msk.f32 $0xffff, v18;
	_ =	sdelay $0x5  }
0xd4: {  	v34, _, _ =	vpop (xrf0)  }
0xd5: {  	(v2sf) =	vpush v34, $0xF;
	_ =	sdelay $0x1  }
0xd6: {  	s22 =	spop (v2sf)  }
0xd7: {  	s16 =	ssub.f32 $0.0e+00, s22;
	_ =	sdelay $0x1  }
0xd8: {  	v20 =	vmov s16  }
0xd9: {  	v20 =	vmul.f32 $1.442695020e+00, v20;
	_ =	sdelay $0x1  }
0xda: {  	v20 =	vbroadcast v20, $0x0;
	_ =	sdelay $0x1  }
0xdb: {  	(erf) = vpow2.f32 v20;
	_ =	sdelay $0x4  }
0xdc: {  	s23 =	spop (v2sf)  }
0xdd: {  	s16 =	ssub.f32 $0.0e+00, s23;
	_ =	sdelay $0x1  }
0xde: {  	v35 =	vmov s16  }
0xdf: {  	v21 =	vpop (erf);
	v20 =	vmul.f32 $1.442695020e+00, v35  }
0xe0: {  	v21 =	vadd.f32 $1.000000000e+00, v21  }
0xe1: {  	v20 =	vbroadcast v20, $0x0  }
0xe2: {  	(erf) = vrcp.f32 v21  }
0xe3: {  	(erf) = vpow2.f32 v20;
	_ =	sdelay $0x7  }
0xe4: {  	v21 =	vpop (erf)  }
0xe5: {  	v20 =	vpop (erf)  }
0xe6: {  	v20 =	vadd.f32 $1.000000000e+00, v20;
	_ =	sdelay $0x1  }
0xe7: {  	(erf) = vrcp.f32 v20;
	_ =	sdelay $0x8  }
0xe8: {  	v20 =	vpop (erf)  }
0xe9: {  	v22 =	vadd.f32 v20, v21;
	_ =	sdelay $0x1  }
0xea: {  	(erf) = vrcp.f32 v22;
	_ =	sdelay $0x5  }
0xeb: {  	v19 =	vbroadcast v34, $0xF;
	_ =	sdelay $0x1  }
0xec: {  	vm14 =	veq.f32 v18, v19  }
0xed: {  	v18 =	vmctz.xlane vm14;
	v36 =	vpop (erf)  }
0xee: {  	v20 =	vmul.f32 v36, v20  }
0xef: {  	vm14 =	veq.s32 v18, v0;
	v19 =	vmul.f32 v36, v21  }
0xf0: {  	v37 =	vnsel vm14, $0x0, v20  }
0xf1: {  	v21 =	vsel vm15, v19, v37  }
0xf2: {  	[tilespmem:s14+$0x0] =	vst v21  }
0xf3: {  	v38 =	vld [tilespmem:s13+$0x80];
	_ =	sdelay $0x4  }
0xf4: {  	(xrf0) =	vmax.scan.msk.f32 $0xffff, v38;
	_ =	sdelay $0x5  }
0xf5: {  	v39, _, _ =	vpop (xrf0)  }
0xf6: {  	v23 =	vbroadcast v39, $0xF  }
0xf7: {  	(v2sf) =	vpush v39, $0xF  }
0xf8: {  	vm14 =	veq.f32 v38, v23  }
0xf9: {  	v40 =	vmctz.xlane vm14;
	_ =	sdelay $0x1  }
0xfa: {  	vm15 =	veq.s32 v40, v0  }
0xfb: {  	v22 =	vsel vm15, $0xFF61B1E6, v38  }
0xfc: {  	(xrf0) =	vmax.scan.msk.f32 $0xffff, v22;
	_ =	sdelay $0x5  }
0xfd: {  	v41, _, _ =	vpop (xrf0)  }
0xfe: {  	(v2sf) =	vpush v41, $0xF;
	_ =	sdelay $0x1  }
0xff: {  	s24 =	spop (v2sf)  }
0x100: {  	s16 =	ssub.f32 $0.0e+00, s24;
	_ =	sdelay $0x1  }
0x101: {  	v24 =	vmov s16  }
0x102: {  	v24 =	vmul.f32 $1.442695020e+00, v24;
	_ =	sdelay $0x1  }
0x103: {  	v24 =	vbroadcast v24, $0x0;
	_ =	sdelay $0x1  }
0x104: {  	(erf) = vpow2.f32 v24;
	_ =	sdelay $0x4  }
0x105: {  	s25 =	spop (v2sf)  }
0x106: {  	s16 =	ssub.f32 $0.0e+00, s25;
	_ =	sdelay $0x1  }
0x107: {  	v42 =	vmov s16  }
0x108: {  	v25 =	vpop (erf);
	v24 =	vmul.f32 $1.442695020e+00, v42  }
0x109: {  	v25 =	vadd.f32 $1.000000000e+00, v25  }
0x10a: {  	v24 =	vbroadcast v24, $0x0  }
0x10b: {  	(erf) = vrcp.f32 v25  }
0x10c: {  	(erf) = vpow2.f32 v24;
	_ =	sdelay $0x7  }
0x10d: {  	v43 =	vpop (erf)  }
0x10e: {  	v44 =	vpop (erf)  }
0x10f: {  	v25 =	vadd.f32 $1.000000000e+00, v44;
	_ =	sdelay $0x1  }
0x110: {  	(erf) = vrcp.f32 v25;
	_ =	sdelay $0x8  }
0x111: {  	v25 =	vpop (erf)  }
0x112: {  	v26 =	vadd.f32 v25, v43;
	_ =	sdelay $0x1  }
0x113: {  	(erf) = vrcp.f32 v26;
	_ =	sdelay $0x5  }
0x114: {  	v23 =	vbroadcast v41, $0xF;
	_ =	sdelay $0x1  }
0x115: {  	vm14 =	veq.f32 v22, v23  }
0x116: {  	v22 =	vmctz.xlane vm14;
	v45 =	vpop (erf)  }
0x117: {  	v25 =	vmul.f32 v45, v25  }
0x118: {  	vm14 =	veq.s32 v22, v0;
	v23 =	vmul.f32 v45, v43  }
0x119: {  	v46 =	vnsel vm14, $0x0, v25  }
0x11a: {  	v24 =	vsel vm15, v23, v46  }
0x11b: {  	[tilespmem:s14+$0x80] =	vst v24  }
0x11c: {  	v24 =	vld [tilespmem:s13+$0x100];
	_ =	sdelay $0x4  }
0x11d: {  	(xrf0) =	vmax.scan.msk.f32 $0xffff, v24;
	_ =	sdelay $0x5  }
0x11e: {  	v47, _, _ =	vpop (xrf0)  }
0x11f: {  	v27 =	vbroadcast v47, $0xF  }
0x120: {  	(v2sf) =	vpush v47, $0xF  }
0x121: {  	vm14 =	veq.f32 v24, v27  }
0x122: {  	v48 =	vmctz.xlane vm14;
	_ =	sdelay $0x1  }
0x123: {  	vm15 =	veq.s32 v48, v0  }
0x124: {  	v24 =	vsel vm15, $0xFF61B1E6, v24  }
0x125: {  	(xrf0) =	vmax.scan.msk.f32 $0xffff, v24;
	_ =	sdelay $0x5  }
0x126: {  	v49, _, _ =	vpop (xrf0)  }
0x127: {  	(v2sf) =	vpush v49, $0xF;
	_ =	sdelay $0x1  }
0x128: {  	s26 =	spop (v2sf)  }
0x129: {  	s16 =	ssub.f32 $0.0e+00, s26;
	_ =	sdelay $0x1  }
0x12a: {  	v28 =	vmov s16  }
0x12b: {  	v28 =	vmul.f32 $1.442695020e+00, v28;
	_ =	sdelay $0x1  }
0x12c: {  	v28 =	vbroadcast v28, $0x0;
	_ =	sdelay $0x1  }
0x12d: {  	(erf) = vpow2.f32 v28;
	_ =	sdelay $0x4  }
0x12e: {  	s28 =	spop (v2sf)  }
0x12f: {  	s16 =	ssub.f32 $0.0e+00, s28;
	_ =	sdelay $0x1  }
0x130: {  	v50 =	vmov s16  }
0x131: {  	v29 =	vpop (erf);
	v28 =	vmul.f32 $1.442695020e+00, v50  }
0x132: {  	v29 =	vadd.f32 $1.000000000e+00, v29  }
0x133: {  	v28 =	vbroadcast v28, $0x0  }
0x134: {  	(erf) = vrcp.f32 v29  }
0x135: {  	(erf) = vpow2.f32 v28;
	_ =	sdelay $0x7  }
0x136: {  	v51 =	vpop (erf)  }
0x137: {  	v52 =	vpop (erf)  }
0x138: {  	v29 =	vadd.f32 $1.000000000e+00, v52;
	_ =	sdelay $0x1  }
0x139: {  	(erf) = vrcp.f32 v29;
	_ =	sdelay $0x8  }
0x13a: {  	v29 =	vpop (erf)  }
0x13b: {  	v30 =	vadd.f32 v29, v51;
	_ =	sdelay $0x1  }
0x13c: {  	(erf) = vrcp.f32 v30;
	_ =	sdelay $0x5  }
0x13d: {  	v27 =	vbroadcast v49, $0xF;
	_ =	sdelay $0x1  }
0x13e: {  	vm14 =	veq.f32 v24, v27  }
0x13f: {  	v24 =	vmctz.xlane vm14;
	v53 =	vpop (erf)  }
0x140: {  	v29 =	vmul.f32 v53, v29  }
0x141: {  	vm14 =	veq.s32 v24, v0;
	v27 =	vmul.f32 v53, v51  }
0x142: {  	v54 =	vnsel vm14, $0x0, v29  }
0x143: {  	v28 =	vsel vm15, v27, v54  }
0x144: {  	[tilespmem:s14+$0x100] =	vst v28  }
0x145: {  	v28 =	vld [tilespmem:s13+$0x180];
	_ =	sdelay $0x4  }
0x146: {  	(xrf0) =	vmax.scan.msk.f32 $0xffff, v28;
	_ =	sdelay $0x5  }
0x147: {  	v55, _, _ =	vpop (xrf0)  }
0x148: {  	v31 =	vbroadcast v55, $0xF  }
0x149: {  	(v2sf) =	vpush v55, $0xF  }
0x14a: {  	vm14 =	veq.f32 v28, v31  }
0x14b: {  	v56 =	vmctz.xlane vm14;
	_ =	sdelay $0x1  }
0x14c: {  	vm15 =	veq.s32 v56, v0  }
0x14d: {  	v28 =	vsel vm15, $0xFF61B1E6, v28  }
0x14e: {  	(xrf0) =	vmax.scan.msk.f32 $0xffff, v28;
	_ =	sdelay $0x5  }
0x14f: {  	v57, _, _ =	vpop (xrf0)  }
0x150: {  	(v2sf) =	vpush v57, $0xF;
	_ =	sdelay $0x1  }
0x151: {  	s29 =	spop (v2sf)  }
0x152: {  	s16 =	ssub.f32 $0.0e+00, s29;
	_ =	sdelay $0x1  }
0x153: {  	v32 =	vmov s16  }
0x154: {  	v32 =	vmul.f32 $1.442695020e+00, v32;
	_ =	sdelay $0x1  }
0x155: {  	v32 =	vbroadcast v32, $0x0;
	_ =	sdelay $0x1  }
0x156: {  	(erf) = vpow2.f32 v32;
	_ =	sdelay $0x4  }
0x157: {  	s30 =	spop (v2sf)  }
0x158: {  	s16 =	ssub.f32 $0.0e+00, s30;
	_ =	sdelay $0x1  }
0x159: {  	v58 =	vmov s16  }
0x15a: {  	v33 =	vpop (erf);
	v32 =	vmul.f32 $1.442695020e+00, v58  }
0x15b: {  	v33 =	vadd.f32 $1.000000000e+00, v33  }
0x15c: {  	v32 =	vbroadcast v32, $0x0  }
0x15d: {  	(erf) = vrcp.f32 v33  }
0x15e: {  	(erf) = vpow2.f32 v32;
	_ =	sdelay $0x7  }
0x15f: {  	v59 =	vpop (erf)  }
0x160: {  	v60 =	vpop (erf)  }
0x161: {  	v33 =	vadd.f32 $1.000000000e+00, v60;
	_ =	sdelay $0x1  }
0x162: {  	(erf) = vrcp.f32 v33;
	_ =	sdelay $0x5  }
0x163: {  	v35 =	vld [tilespmem:$0x1FF50];
	_ =	sdelay $0x2  }
0x164: {  	v33 =	vpop (erf)  }
0x165: {  	v34 =	vadd.f32 v33, v59  }
0x166: {  	vm14 =	vnez.u8 v35  }
0x167: {  	v3 =	vsel vm14, v4, v3;
	v1 =	vsel vm14, v1, v2;
	(erf) = vrcp.f32 v34  }
0x168: {  	v2 =	vsel vm2, v3, v8;
	v1 =	vsel vm2, v1, v6  }
0x169: {  	v2 =	vsel vm3, v2, v7;
	v1 =	vsel vm3, v1, v5  }
0x16a: {  	v2 =	vsel vm4, v2, v12;
	v1 =	vsel vm4, v1, v10  }
0x16b: {  	v2 =	vsel vm5, v2, v11;
	v1 =	vsel vm5, v1, v9  }
0x16c: {  	v2 =	vsel vm6, v2, v16;
	v1 =	vsel vm6, v1, v14  }
0x16d: {  	v2 =	vsel vm7, v2, v15;
	v1 =	vsel vm7, v1, v13;
	v3 =	vbroadcast v57, $0xF  }
0x16e: {  	v2 =	vsel vm8, v2, v20;
	v1 =	vsel vm8, v1, v18  }
0x16f: {  	v2 =	vsel vm9, v2, v19;
	v1 =	vsel vm9, v1, v63;
	vm14 =	veq.f32 v28, v3  }
0x170: {  	v2 =	vsel vm10, v2, v25;
	v1 =	vsel vm10, v1, v22;
	v3 =	vmctz.xlane vm14;
	v61 =	vpop (erf)  }
0x171: {  	v2 =	vsel vm11, v2, v23;
	v1 =	vsel vm11, v1, v40;
	v62 =	vmul.f32 v61, v33  }
0x172: {  	p0 =	sne.s32 s15, $0x7C0;
	v2 =	vsel vm12, v2, v29;
	vm14 =	veq.s32 v3, v0;
	v4 =	vmul.f32 v61, v59  }
.Ltmp0:
0x173: {  	v1 =	vsel vm12, v1, v24;
	v2 =	vsel vm13, v2, v27;
	v63 =	vnsel vm14, $0x0, v62;
	(pc) =	sbr.rel @p0 .LBB2_2-.Ltmp0, $4  }
0x174: {  	v1 =	vsel vm13, v1, v48;
	v2 =	vsel vm1, v2, v62;
	v6 =	vsel vm15, v4, v63  }
0x175: {  	s31 =	sshra.s32 s15, $0x2;
	v1 =	vsel vm1, v1, v3;
	v2 =	vsel vm0, v2, v4;
	[tilespmem:s14+$0x180] =	vst v6  }
0x176: {  	v1 =	vsel vm0, v1, v56;
	[tilespmem:s31+$0x8000] =	vst v2  }
0x177: {  	s15 =	sadd.s32 $0x40, s15;
	s13 =	sadd.s32 $0x400, s13;
	vm14 =	vmmov vm12;
	s14 =	sadd.s32 $0x400, s14;
	[tilespmem:s31+$0x8200] =	vst v1  }
0x178: {  	[hbm4b:s4+s2] =	stream.linear.scatter [tilespmem:s9], [sflag:$0x1], $0x200, $0x38;
	[tilespmem:$0x10400] =	vst v63  }
0x179: {  	_ =	swait.ge [sflag:s8], $0x200  }
0x17a: {  	[sflag:s8] =	ssyncset.done $0x0  }
0x17b: {  	[sflag:s8] =	ssyncadd.s32 $0xFFFFFE00  }
0x17c: {  	[hbm4b:s5+s2] =	stream.linear.scatter [tilespmem:s10], [sflag:$0x1], $0x200, $0x38;
	[tilespmem:$0x10400] =	vst v63  }
0x17d: {  	s12 =	sadd.s32 $0x1, s12;
	_ =	swait.ge [sflag:s8], $0x200  }
0x17e: {  	p0 =	sne.s32 s12, s7;
	[sflag:s8] =	ssyncset.done $0x0  }
.Ltmp1:
0x17f: {  	[sflag:s8] =	ssyncadd.s32 $0xFFFFFE00;
	(pc) =	sbr.rel @p0 .LBB2_1-.Ltmp1, $4  }
0x180: {  	[hbm4b:s6+s2] =	stream.linear.scatter [tilespmem:s11], [sflag:$0x1], $0x8000, $0x38;
	[tilespmem:$0x10400] =	vst v63  }
0x181: {  	_ =	swait.ge [sflag:s8], $0x8000  }
0x182: {  	[sflag:s8] =	ssyncset.done $0x0  }
0x183: {  	[sflag:s8] =	ssyncadd.s32 $0xFFFF8000  }
0x184: {  	_ =	sfence.sel $0x180000  }
0x185: {  	[bflag:$0x0] =	sbarrier.arrive $0xFFFF  }
0x186: {  	p0 =	sne.s32 s1, $0x0;
	_ =	strace $0x90000047  }
0x187: {  	s0 =	sadd.s32 @!p0 $0x100000, s0;
	[bflag:$0x2] =	sbarrier.arrive $0xFFFF  }
0x188: {  	[sflag:s0] =	ssyncadd.tile.s32 @!p0 $0x1;
	_ =	shalt  }
.Lfunc_end2:
_tile_overlayer_lowered:
.L_overlay_start_2:
0x189: {  	(tag) =	ssettag $0x2  }
0x18a: {  	s0 =	rddreg [dreg:$0x0];
	s2 =	stileid.u32  }
0x18b: {  	s1 =	rddreg [dreg:$0x1];
	p0 =	sne.s32 s2, $0x0  }
0x18c: {  	s3 =	rddreg [dreg:$0x2];
	[bflag:$0x3] =	sbarrier.arrive $0xFFFF;
	s2 =	simm.s32 @!p0 $0x1C01  }
0x18d: {  	[timem:s3], [sflag:s2] =	dma.local @!p0 [hbm:s0], s1  }
0x18e: {  	s0 =	simm.s32 @!p0 $0x1  }
0x18f: {  	_ =	swait.ge @!p0 [sflag:s0], s1  }
0x190: {  	s1 =	ssub.s32 @!p0 $0x0, s1;
	[sflag:s0] =	ssyncset.done @!p0 $0x0  }
0x191: {  	[sflag:s0] =	ssyncadd.s32 @!p0 s1  }
0x192: {  	[bflag:$0x3] =	sbarrier.arrive $0xFFFF  }
0x193: {  	_ =	shalt  }

</sc_bundles>
